<compile_context>
chip_gen: v7x
topology: tpu7x:2x2x1
jax: 0.10.2.dev20260603
libtpu: 0.0.44.dev20260713+nightly
codegen_flags: <defaults>
</compile_context>

<pallas_src>
import functools

import jax
import jax.numpy as jnp
from jax import lax
from jax.experimental import pallas as pl
from jax.experimental.pallas import tpu as pltpu
from jax.experimental.pallas import tpu_sc as plsc

N = 10000
E = 320000
D = 128
H = 128
OUT = 1
G = 64

NC = 2
NS = 16
NW = NC * NS
EPW = E // NW
CH = 128
NCHUNK = E // CH
CPW = NCHUNK // NW
XCH = NCHUNK - CPW * NW
EPL = CPW * CH
SPW = 80
SEGC = 40
NTS = SEGC // 2
EPAD = NW * SPW * CH
NPAD = N + 8
RPT = 624
RREM0 = RPT * NS
RREM = NPAD - RREM0

BN = 1000
NB = N // BN

_sc_mesh = plsc.VectorSubcoreMesh(core_axis_name="c", subcore_axis_name="s")


@functools.partial(
    pl.kernel,
    out_type=jax.ShapeDtypeStruct((NW, N), jnp.float32),
    mesh=_sc_mesh,
    scratch_types=[
        pltpu.VMEM((EPW,), jnp.int32),
        pltpu.VMEM((N,), jnp.float32),
    ],
    compiler_params=pltpu.CompilerParams(needs_layout_passes=False),
)
def _deg_kernel(dst_hbm, zeros_hbm, out_hbm, idx_v, deg_v):
    c = lax.axis_index("c")
    s = lax.axis_index("s")
    wid = s * NC + c
    base = wid * EPW
    pltpu.sync_copy(zeros_hbm, deg_v)
    pltpu.sync_copy(dst_hbm.at[pl.ds(base, EPW)], idx_v)
    ones = jnp.full((16,), 1.0, jnp.float32)

    def body(j, carry):
        idx16 = idx_v[pl.ds(j * 16, 16)]
        plsc.addupdate_scatter(deg_v, [idx16], ones)
        return carry

    lax.fori_loop(0, EPW // 16, body, 0)
    pltpu.sync_copy(deg_v, out_hbm.at[wid])


@functools.partial(
    pl.kernel,
    out_type=jax.ShapeDtypeStruct((NC, N, H), jnp.float32),
    mesh=_sc_mesh,
    scratch_types=[
        pltpu.VMEM_SHARED((NPAD, H), jnp.float32),
        pltpu.VMEM((SEGC, CH), jnp.int32),
        pltpu.VMEM((SEGC, CH), jnp.int32),
        pltpu.VMEM((CH, H), jnp.float32),
        pltpu.VMEM((CH, H), jnp.float32),
        pltpu.SemaphoreType.DMA,
        pltpu.SemaphoreType.DMA,
        pltpu.SemaphoreType.DMA,
    ],
)
def _edge_kernel(src2_hbm, dst2_hbm, y_hbm, zeros_hbm, out_hbm,
                 agg_sh, srcall, dstall, rows_a, rows_b,
                 gsem, ssem_a, ssem_b):
    c = lax.axis_index("c")
    s = lax.axis_index("s")
    wid = c * NS + s
    r0 = s * RPT
    pltpu.sync_copy(zeros_hbm.at[pl.ds(r0, RPT)], agg_sh.at[pl.ds(r0, RPT)])

    @pl.when(s == NS - 1)
    def _():
        pltpu.sync_copy(zeros_hbm.at[pl.ds(RREM0, RREM)],
                        agg_sh.at[pl.ds(RREM0, RREM)])

    plsc.subcore_barrier()

    for seg in range(SPW // SEGC):
        row0 = wid * SPW + seg * SEGC
        pltpu.sync_copy(src2_hbm.at[pl.ds(row0, SEGC)], srcall)
        pltpu.sync_copy(dst2_hbm.at[pl.ds(row0, SEGC)], dstall)
        pltpu.async_copy(y_hbm.at[srcall.at[0]], rows_a, gsem)

        def body(t, carry):
            cA = 2 * t
            pltpu.make_async_copy(y_hbm.at[pl.ds(0, CH)], rows_a,
                                  gsem).wait()
            pltpu.async_copy(rows_a, agg_sh.at[dstall.at[cA]], ssem_a,
                             add=True)

            @pl.when(t > 0)
            def _():
                pltpu.make_async_copy(y_hbm.at[pl.ds(0, CH)], rows_b,
                                      ssem_b).wait()

            pltpu.async_copy(y_hbm.at[srcall.at[cA + 1]], rows_b, gsem)
            pltpu.make_async_copy(y_hbm.at[pl.ds(0, CH)], rows_b,
                                  gsem).wait()
            pltpu.async_copy(rows_b, agg_sh.at[dstall.at[cA + 1]], ssem_b,
                             add=True)
            pltpu.make_async_copy(y_hbm.at[pl.ds(0, CH)], rows_a,
                                  ssem_a).wait()

            @pl.when(t + 1 < NTS)
            def _():
                pltpu.async_copy(y_hbm.at[srcall.at[cA + 2]], rows_a, gsem)

            return carry

        lax.fori_loop(0, NTS, body, 0)
        pltpu.make_async_copy(y_hbm.at[pl.ds(0, CH)], rows_b, ssem_b).wait()

    plsc.subcore_barrier()
    pltpu.sync_copy(agg_sh.at[pl.ds(r0, RPT)], out_hbm.at[c, pl.ds(r0, RPT)])

    @pl.when(s == NS - 1)
    def _():
        pltpu.sync_copy(agg_sh.at[pl.ds(RREM0, N - RREM0)],
                        out_hbm.at[c, pl.ds(RREM0, N - RREM0)])


def _dis_from(degp_ref):
    deg = jnp.sum(degp_ref[0], axis=0) + 1.0
    return lax.rsqrt(deg)


def _scale_mm_body(degp_ref, x_ref, w_ref, y_ref):
    dis = _dis_from(degp_ref)
    xw = jnp.dot(x_ref[...], w_ref[...], preferred_element_type=jnp.float32)
    y_ref[...] = xw * dis[:, None]


def _combine_mm_body(degp_ref, agg_ref, y_ref, b_ref, w_ref, o_ref):
    dis = _dis_from(degp_ref)
    tot = agg_ref[0] + agg_ref[1] + y_ref[...]
    h = tot * dis[:, None] + b_ref[...]
    h = jnp.where(h >= 0, h, 0.01 * h)
    hw = jnp.dot(h, w_ref[...], preferred_element_type=jnp.float32)
    o_ref[...] = hw * dis[:, None]


def _pool_head_body(degp_ref, agg_ref, y_ref, b_ref, batch_ref,
                    wo1_ref, bo1_ref, wo2_ref, bo2_ref, o_ref, sums, cnts):
    i = pl.program_id(0)

    @pl.when(i == 0)
    def _():
        sums[...] = jnp.zeros_like(sums)
        cnts[...] = jnp.zeros_like(cnts)

    dis = _dis_from(degp_ref)
    tot = agg_ref[0] + agg_ref[1] + y_ref[...]
    h = tot * dis[:, None] + b_ref[...]
    h = jnp.where(h >= 0, h, 0.01 * h)

    ids = batch_ref[0, 0]
    onehot = (ids[:, None] == lax.broadcasted_iota(jnp.int32, (BN, G), 1))
    onehot = onehot.astype(jnp.float32)
    dn = (((0,), (0,)), ((), ()))
    sums[...] += lax.dot_general(onehot, h, dn,
                                 preferred_element_type=jnp.float32,
                                 precision=lax.Precision.HIGHEST)
    cnts[...] += lax.dot_general(onehot, jnp.ones((BN, 128), jnp.float32), dn,
                                 preferred_element_type=jnp.float32,
                                 precision=lax.Precision.HIGHEST)

    @pl.when(i == pl.num_programs(0) - 1)
    def _():
        g = sums[...] / jnp.maximum(cnts[...], 1.0)
        a = jnp.dot(g, wo1_ref[...], preferred_element_type=jnp.float32)
        a = a + bo1_ref[...]
        a = jnp.where(a >= 0, a, 0.01 * a)
        o_ref[...] = jnp.dot(a, wo2_ref[...],
                             preferred_element_type=jnp.float32) + bo2_ref[...]


def _scale_mm(degp, x, w):
    return pl.pallas_call(
        _scale_mm_body,
        grid=(NB,),
        in_specs=[
            pl.BlockSpec((1, NW, BN), lambda i: (i, 0, 0)),
            pl.BlockSpec((BN, D), lambda i: (i, 0)),
            pl.BlockSpec((D, H), lambda i: (0, 0)),
        ],
        out_specs=pl.BlockSpec((BN, H), lambda i: (i, 0)),
        out_shape=jax.ShapeDtypeStruct((N, H), jnp.float32),
    )(degp, x, w)


def _combine_mm(degp, agg, y, b, w):
    return pl.pallas_call(
        _combine_mm_body,
        grid=(NB,),
        in_specs=[
            pl.BlockSpec((1, NW, BN), lambda i: (i, 0, 0)),
            pl.BlockSpec((NC, BN, H), lambda i: (0, i, 0)),
            pl.BlockSpec((BN, H), lambda i: (i, 0)),
            pl.BlockSpec((1, H), lambda i: (0, 0)),
            pl.BlockSpec((H, H), lambda i: (0, 0)),
        ],
        out_specs=pl.BlockSpec((BN, H), lambda i: (i, 0)),
        out_shape=jax.ShapeDtypeStruct((N, H), jnp.float32),
    )(degp, agg, y, b, w)


def _pool_head(degp, agg, y, b, batch3, wo1, bo1, wo2p, bo2p):
    return pl.pallas_call(
        _pool_head_body,
        grid=(NB,),
        in_specs=[
            pl.BlockSpec((1, NW, BN), lambda i: (i, 0, 0)),
            pl.BlockSpec((NC, BN, H), lambda i: (0, i, 0)),
            pl.BlockSpec((BN, H), lambda i: (i, 0)),
            pl.BlockSpec((1, H), lambda i: (0, 0)),
            pl.BlockSpec((1, 1, BN), lambda i: (i, 0, 0)),
            pl.BlockSpec((H, G), lambda i: (0, 0)),
            pl.BlockSpec((1, G), lambda i: (0, 0)),
            pl.BlockSpec((G, 128), lambda i: (0, 0)),
            pl.BlockSpec((1, 128), lambda i: (0, 0)),
        ],
        out_specs=pl.BlockSpec((G, 128), lambda i: (0, 0)),
        out_shape=jax.ShapeDtypeStruct((G, 128), jnp.float32),
        scratch_shapes=[
            pltpu.VMEM((G, H), jnp.float32),
            pltpu.VMEM((G, 128), jnp.float32),
        ],
    )(degp, agg, y, b, batch3, wo1, bo1, wo2p, bo2p)


def kernel(x, edge_index, batch, W1, b1, W2, b2, Wo1, bo1, Wo2, bo2):
    src = edge_index[0]
    dst = edge_index[1]
    zeros1 = jnp.zeros((N,), jnp.float32)
    zeros2 = jnp.zeros((NPAD, H), jnp.float32)
    npad = EPAD - E
    srcp = jnp.concatenate([src, jnp.zeros((npad,), jnp.int32)])
    dstp = jnp.concatenate(
        [dst, (N + (jnp.arange(npad) % 8)).astype(jnp.int32)])
    src2 = srcp.reshape(NW * SPW, CH)
    dst2 = dstp.reshape(NW * SPW, CH)

    degp = _deg_kernel(dst, zeros1)
    degp = degp.reshape(NW, NB, BN).transpose(1, 0, 2)
    y1 = _scale_mm(degp, x, W1)
    agg1 = _edge_kernel(src2, dst2, y1, zeros2)
    y2 = _combine_mm(degp, agg1, y1, b1.reshape(1, H), W2)
    agg2 = _edge_kernel(src2, dst2, y2, zeros2)

    batch3 = batch.reshape(NB, 1, BN)
    wo2p = jnp.pad(Wo2, ((0, 0), (0, 128 - OUT)))
    bo2p = jnp.pad(bo2, (0, 128 - OUT)).reshape(1, 128)
    outp = _pool_head(degp, agg2, y2, b2.reshape(1, H), batch3,
                      Wo1, bo1.reshape(1, G), wo2p, bo2p)
    return outp[:, :OUT]

# --- scband reference (transcript-rebuilt; emitter-appended) ---
"""Pipeline reference for scband-gnnregressor-30726196035937 (READ-ONLY COPY).

The authoritative reference and input builder live on the scoring server;
editing this copy changes nothing except your own understanding.
"""

import jax, jax.numpy as jnp
import numpy as np

N = 10000
E = 320000
D = 128
H = 128
OUT = 1
G = 64


def setup_inputs(seed: int = 0) -> dict:
    key = jax.random.key(seed)
    ks = jax.random.split(key, 12)
    x = jax.random.normal(ks[0], (N, D), dtype=jnp.float32)
    edge_index = jax.random.randint(ks[1], (2, E), 0, N, dtype=jnp.int32)
    batch = jnp.sort(jax.random.randint(ks[2], (N,), 0, G, dtype=jnp.int32))
    W1 = jax.random.normal(ks[3], (D, H), dtype=jnp.float32) * (1.0 / np.sqrt(D))
    b1 = jnp.zeros((H,), dtype=jnp.float32)
    W2 = jax.random.normal(ks[4], (H, H), dtype=jnp.float32) * (1.0 / np.sqrt(H))
    b2 = jnp.zeros((H,), dtype=jnp.float32)
    Wo1 = jax.random.normal(ks[5], (H, H // 2), dtype=jnp.float32) * (1.0 / np.sqrt(H))
    bo1 = jnp.zeros((H // 2,), dtype=jnp.float32)
    Wo2 = jax.random.normal(ks[6], (H // 2, OUT), dtype=jnp.float32) * (1.0 / np.sqrt(H // 2))
    bo2 = jnp.zeros((OUT,), dtype=jnp.float32)
    return {"x": x, "edge_index": edge_index, "batch": batch,
            "W1": W1, "b1": b1, "W2": W2, "b2": b2,
            "Wo1": Wo1, "bo1": bo1, "Wo2": Wo2, "bo2": bo2}


def gcn_conv(x, src, dst, W, b, n_nodes):
    # PyG GCNConv: add self-loops, symmetric normalization D^-1/2 (A+I) D^-1/2
    loop = jnp.arange(n_nodes, dtype=src.dtype)
    src_sl = jnp.concatenate([src, loop])
    dst_sl = jnp.concatenate([dst, loop])
    xw = x @ W
    deg = jnp.zeros((n_nodes,), dtype=x.dtype).at[dst_sl].add(1.0)
    deg_inv_sqrt = jnp.where(deg > 0, deg ** -0.5, 0.0)
    norm = deg_inv_sqrt[src_sl] * deg_inv_sqrt[dst_sl]
    msg = xw[src_sl] * norm[:, None]
    out = jnp.zeros_like(xw).at[dst_sl].add(msg)
    return out + b


def global_mean_pool(x, batch, num_graphs):
    sums = jax.ops.segment_sum(x, batch, num_segments=num_graphs)
    counts = jax.ops.segment_sum(jnp.ones((x.shape[0],), dtype=x.dtype), batch, num_segments=num_graphs)
    return sums / jnp.clip(counts, 1.0)[:, None]


def reference(x, edge_index, batch, W1, b1, W2, b2, Wo1, bo1, Wo2, bo2):
    src, dst = edge_index[0], edge_index[1]
    h = jax.nn.leaky_relu(gcn_conv(x, src, dst, W1, b1, N), negative_slope=0.01)
    h = jax.nn.leaky_relu(gcn_conv(h, src, dst, W2, b2, N), negative_slope=0.01)
    g = global_mean_pool(h, batch, G)
    g = jax.nn.leaky_relu(g @ Wo1 + bo1, negative_slope=0.01)
    return g @ Wo2 + bo2

if __name__ == "__main__":
    import jax
    _d = setup_inputs()
    print(jax.jit(kernel)(*tuple(_d.values())))

</pallas_src>

<mosaic_0001>
#map = affine_map<(d0, d1) -> (0)>
#map1 = affine_map<(d0, d1) -> (0, 0)>
module attributes {stable_mosaic.version = 14 : i64} {
  func.func @_deg_kernel(%arg0: i32, %arg1: i32, %arg2: memref<320000xi32, #tpu.memory_space<hbm>>, %arg3: memref<10000xf32, #tpu.memory_space<hbm>>, %arg4: memref<32x10000xf32, #tpu.memory_space<hbm>>, %arg5: memref<10000xi32, #tpu.memory_space<vmem>>, %arg6: memref<10000xf32, #tpu.memory_space<vmem>>) attributes {dimension_semantics = [#tpu.dimension_semantics<core_parallel>, #tpu.dimension_semantics<subcore_parallel>], iteration_bounds = array<i64: 2, 16>, scalar_prefetch = 0 : i64, scratch_operands = 2 : i64, tpu.core_type = #tpu.core_type<sc_vector_subcore>, window_params = [{transform_indices = #map}, {transform_indices = #map}, {transform_indices = #map1}]} {
    %mul3A = arith.constant 2 : i32
    %mul3A_0 = arith.muli %arg1, %mul3A : i32
    %add3A = arith.addi %mul3A_0, %arg0 : i32
    %mul3A_1 = arith.constant 10000 : i32
    %mul3A_2 = arith.muli %add3A, %mul3A_1 : i32
    "tpu.region"() ({
      %run_scoped3A = tpu.sem_alloc : memref<!tpu.dma_semaphore, #tpu.memory_space<semaphore_mem>>
      tpu.enqueue_dma source(%arg3 : memref<10000xf32, #tpu.memory_space<hbm>>) target(%arg6 : memref<10000xf32, #tpu.memory_space<vmem>>) target_semaphore(%run_scoped3A : memref<!tpu.dma_semaphore, #tpu.memory_space<semaphore_mem>>)
      tpu.wait_dma2 semaphore(%run_scoped3A : memref<!tpu.dma_semaphore, #tpu.memory_space<semaphore_mem>>) src(%arg3 : memref<10000xf32, #tpu.memory_space<hbm>>) dst(%arg6 : memref<10000xf32, #tpu.memory_space<vmem>>)
      tpu.yield
    }) : () -> ()
    "tpu.region"() ({
      %run_scoped3A = tpu.sem_alloc : memref<!tpu.dma_semaphore, #tpu.memory_space<semaphore_mem>>
      %dma_start3A = tpu.memref_slice %arg2[%mul3A_2] : memref<320000xi32, #tpu.memory_space<hbm>> -> memref<10000xi32, #tpu.memory_space<hbm>>
      %dma_start3A_9 = tpu.memref_slice %arg2[%mul3A_2] : memref<320000xi32, #tpu.memory_space<hbm>> -> memref<10000xi32, #tpu.memory_space<hbm>>
      tpu.enqueue_dma source(%dma_start3A_9 : memref<10000xi32, #tpu.memory_space<hbm>>) target(%arg5 : memref<10000xi32, #tpu.memory_space<vmem>>) target_semaphore(%run_scoped3A : memref<!tpu.dma_semaphore, #tpu.memory_space<semaphore_mem>>)
      %dma_wait3A = tpu.memref_slice %arg2[%mul3A_2] : memref<320000xi32, #tpu.memory_space<hbm>> -> memref<10000xi32, #tpu.memory_space<hbm>>
      %dma_wait3A_10 = tpu.memref_slice %arg2[%mul3A_2] : memref<320000xi32, #tpu.memory_space<hbm>> -> memref<10000xi32, #tpu.memory_space<hbm>>
      tpu.wait_dma2 semaphore(%run_scoped3A : memref<!tpu.dma_semaphore, #tpu.memory_space<semaphore_mem>>) src(%dma_wait3A_10 : memref<10000xi32, #tpu.memory_space<hbm>>) dst(%arg5 : memref<10000xi32, #tpu.memory_space<vmem>>)
      tpu.yield
    }) : () -> ()
    %broadcast_in_dim3A = arith.constant 1.000000e+00 : f32
    %broadcast_in_dim3A_3 = vector.broadcast %broadcast_in_dim3A : f32 to vector<16xf32>
    %scan3A = arith.constant 0 : i32
    %scan3A_4 = arith.constant 0 : i32
    %scan3A_5 = arith.constant 625 : i32
    %scan3A_6 = arith.addi %scan3A_4, %scan3A_5 : i32
    %scan3A_7 = arith.constant 1 : i32
    scf.for %scan3A_9 = %scan3A_4 to %scan3A_6 step %scan3A_7  : i32 {
      %mul3A_10 = arith.constant 16 : i32
      %mul3A_11 = arith.muli %scan3A_9, %mul3A_10 : i32
      %get3A = arith.index_cast %mul3A_11 : i32 to index
      %get3A_12 = tpu.vector_load %arg5[%get3A] {strides = array<i32>} : memref<10000xi32, #tpu.memory_space<vmem>>, vector<16xi32>,
      tpu.vector_store_idx %arg6[%get3A_12], %broadcast_in_dim3A_3 {add = true} : memref<10000xf32, #tpu.memory_space<vmem>>[vector<16xi32>], vector<16xf32>,
    }
    %scan3A_8 = arith.constant 625 : i32
    "tpu.region"() ({
      %run_scoped3A = tpu.sem_alloc : memref<!tpu.dma_semaphore, #tpu.memory_space<semaphore_mem>>
      %dma_start3A = arith.constant 0 : i32
      %dma_start3A_9 = tpu.memref_slice %arg4[%add3A, %dma_start3A] : memref<32x10000xf32, #tpu.memory_space<hbm>> -> memref<1x10000xf32, #tpu.memory_space<hbm>>
      %dma_start3A_10 = tpu.memref_squeeze %dma_start3A_9 : memref<1x10000xf32, #tpu.memory_space<hbm>> -> memref<10000xf32, #tpu.memory_space<hbm>>
      %dma_start3A_11 = arith.constant 0 : i32
      %dma_start3A_12 = tpu.memref_slice %arg4[%add3A, %dma_start3A_11] : memref<32x10000xf32, #tpu.memory_space<hbm>> -> memref<1x10000xf32, #tpu.memory_space<hbm>>
      %dma_start3A_13 = tpu.memref_squeeze %dma_start3A_12 : memref<1x10000xf32, #tpu.memory_space<hbm>> -> memref<10000xf32, #tpu.memory_space<hbm>>
      tpu.enqueue_dma source(%arg6 : memref<10000xf32, #tpu.memory_space<vmem>>) target(%dma_start3A_13 : memref<10000xf32, #tpu.memory_space<hbm>>) target_semaphore(%run_scoped3A : memref<!tpu.dma_semaphore, #tpu.memory_space<semaphore_mem>>)
      %dma_wait3A = arith.constant 0 : i32
      %dma_wait3A_14 = tpu.memref_slice %arg4[%add3A, %dma_wait3A] : memref<32x10000xf32, #tpu.memory_space<hbm>> -> memref<1x10000xf32, #tpu.memory_space<hbm>>
      %dma_wait3A_15 = tpu.memref_squeeze %dma_wait3A_14 : memref<1x10000xf32, #tpu.memory_space<hbm>> -> memref<10000xf32, #tpu.memory_space<hbm>>
      %dma_wait3A_16 = arith.constant 0 : i32
      %dma_wait3A_17 = tpu.memref_slice %arg4[%add3A, %dma_wait3A_16] : memref<32x10000xf32, #tpu.memory_space<hbm>> -> memref<1x10000xf32, #tpu.memory_space<hbm>>
      %dma_wait3A_18 = tpu.memref_squeeze %dma_wait3A_17 : memref<1x10000xf32, #tpu.memory_space<hbm>> -> memref<10000xf32, #tpu.memory_space<hbm>>
      tpu.wait_dma2 semaphore(%run_scoped3A : memref<!tpu.dma_semaphore, #tpu.memory_space<semaphore_mem>>) src(%arg6 : memref<10000xf32, #tpu.memory_space<vmem>>) dst(%dma_wait3A_18 : memref<10000xf32, #tpu.memory_space<hbm>>)
      tpu.yield
    }) : () -> ()
    return
  }
}

#map = affine_map<(d0, d1) -> (0, 0)>
#map1 = affine_map<(d0, d1) -> (0, 0, 0)>
module attributes {stable_mosaic.version = 14 : i64} {
  func.func @_edge_kernel(%arg0: i32, %arg1: i32, %arg2: memref<2560x128xi32, #tpu.memory_space<hbm>>, %arg3: memref<2560x128xi32, #tpu.memory_space<hbm>>, %arg4: memref<10000x128xf32, #tpu.memory_space<hbm>>, %arg5: memref<10008x128xf32, #tpu.memory_space<hbm>>, %arg6: memref<2x10000x128xf32, #tpu.memory_space<hbm>>, %arg7: memref<10008x128xf32, #tpu.memory_space<vmem_shared>>, %arg8: memref<40x128xi32, #tpu.memory_space<vmem>>, %arg9: memref<40x128xi32, #tpu.memory_space<vmem>>, %arg10: memref<128x128xf32, #tpu.memory_space<vmem>>, %arg11: memref<128x128xf32, #tpu.memory_space<vmem>>, %arg12: memref<!tpu.dma_semaphore, #tpu.memory_space<semaphore_mem>>, %arg13: memref<!tpu.dma_semaphore, #tpu.memory_space<semaphore_mem>>, %arg14: memref<!tpu.dma_semaphore, #tpu.memory_space<semaphore_mem>>) attributes {dimension_semantics = [#tpu.dimension_semantics<core_parallel>, #tpu.dimension_semantics<subcore_parallel>], iteration_bounds = array<i64: 2, 16>, scalar_prefetch = 0 : i64, scratch_operands = 8 : i64, tpu.core_type = #tpu.core_type<sc_vector_subcore>, window_params = [{transform_indices = #map}, {transform_indices = #map}, {transform_indices = #map}, {transform_indices = #map}, {transform_indices = #map1}]} {
    %mul3A = arith.constant 16 : i32
    %mul3A_0 = arith.muli %arg0, %mul3A : i32
    %add3A = arith.addi %mul3A_0, %arg1 : i32
    %mul3A_1 = arith.constant 624 : i32
    %mul3A_2 = arith.muli %arg1, %mul3A_1 : i32
    "tpu.region"() ({
      %run_scoped3A = tpu.sem_alloc : memref<!tpu.dma_semaphore, #tpu.memory_space<semaphore_mem>>
      %dma_start3A_54 = arith.constant 0 : i32
      %dma_start3A_55 = tpu.memref_slice %arg7[%mul3A_2, %dma_start3A_54] : memref<10008x128xf32, #tpu.memory_space<vmem_shared>> -> memref<624x128xf32, #tpu.memory_space<vmem_shared>>
      %dma_start3A_56 = arith.constant 0 : i32
      %dma_start3A_57 = tpu.memref_slice %arg5[%mul3A_2, %dma_start3A_56] : memref<10008x128xf32, #tpu.memory_space<hbm>> -> memref<624x128xf32, #tpu.memory_space<hbm>>
      tpu.enqueue_dma source(%dma_start3A_57 : memref<624x128xf32, #tpu.memory_space<hbm>>) target(%dma_start3A_55 : memref<624x128xf32, #tpu.memory_space<vmem_shared>>) target_semaphore(%run_scoped3A : memref<!tpu.dma_semaphore, #tpu.memory_space<semaphore_mem>>)
      %dma_wait3A_58 = arith.constant 0 : i32
      %dma_wait3A_59 = tpu.memref_slice %arg7[%mul3A_2, %dma_wait3A_58] : memref<10008x128xf32, #tpu.memory_space<vmem_shared>> -> memref<624x128xf32, #tpu.memory_space<vmem_shared>>
      %dma_wait3A_60 = arith.constant 0 : i32
      %dma_wait3A_61 = tpu.memref_slice %arg5[%mul3A_2, %dma_wait3A_60] : memref<10008x128xf32, #tpu.memory_space<hbm>> -> memref<624x128xf32, #tpu.memory_space<hbm>>
      tpu.wait_dma2 semaphore(%run_scoped3A : memref<!tpu.dma_semaphore, #tpu.memory_space<semaphore_mem>>) src(%dma_wait3A_61 : memref<624x128xf32, #tpu.memory_space<hbm>>) dst(%dma_wait3A_59 : memref<624x128xf32, #tpu.memory_space<vmem_shared>>)
      tpu.yield
    }) : () -> ()
    %eq3A = arith.constant 15 : i32
    %eq3A_3 = arith.cmpi eq, %arg1, %eq3A : i32
    %convert_element_type3A = arith.extui %eq3A_3 : i1 to i32
    %cond3A = arith.constant 0 : i32
    %cond3A_4 = arith.cmpi ne, %convert_element_type3A, %cond3A : i32
    scf.if %cond3A_4 {
      "tpu.region"() ({
        %run_scoped3A = tpu.sem_alloc : memref<!tpu.dma_semaphore, #tpu.memory_space<semaphore_mem>>
        %dma_start3A_54 = arith.constant 9984 : i32
        %dma_start3A_55 = arith.constant 0 : i32
        %dma_start3A_56 = tpu.memref_slice %arg7[%dma_start3A_54, %dma_start3A_55] : memref<10008x128xf32, #tpu.memory_space<vmem_shared>> -> memref<24x128xf32, #tpu.memory_space<vmem_shared>>
        %dma_start3A_57 = arith.constant 9984 : i32
        %dma_start3A_58 = arith.constant 0 : i32
        %dma_start3A_59 = tpu.memref_slice %arg5[%dma_start3A_57, %dma_start3A_58] : memref<10008x128xf32, #tpu.memory_space<hbm>> -> memref<24x128xf32, #tpu.memory_space<hbm>>
        tpu.enqueue_dma source(%dma_start3A_59 : memref<24x128xf32, #tpu.memory_space<hbm>>) target(%dma_start3A_56 : memref<24x128xf32, #tpu.memory_space<vmem_shared>>) target_semaphore(%run_scoped3A : memref<!tpu.dma_semaphore, #tpu.memory_space<semaphore_mem>>)
        %dma_wait3A_60 = arith.constant 9984 : i32
        %dma_wait3A_61 = arith.constant 0 : i32
        %dma_wait3A_62 = tpu.memref_slice %arg7[%dma_wait3A_60, %dma_wait3A_61] : memref<10008x128xf32, #tpu.memory_space<vmem_shared>> -> memref<24x128xf32, #tpu.memory_space<vmem_shared>>
        %dma_wait3A_63 = arith.constant 9984 : i32
        %dma_wait3A_64 = arith.constant 0 : i32
        %dma_wait3A_65 = tpu.memref_slice %arg5[%dma_wait3A_63, %dma_wait3A_64] : memref<10008x128xf32, #tpu.memory_space<hbm>> -> memref<24x128xf32, #tpu.memory_space<hbm>>
        tpu.wait_dma2 semaphore(%run_scoped3A : memref<!tpu.dma_semaphore, #tpu.memory_space<semaphore_mem>>) src(%dma_wait3A_65 : memref<24x128xf32, #tpu.memory_space<hbm>>) dst(%dma_wait3A_62 : memref<24x128xf32, #tpu.memory_space<vmem_shared>>)
        tpu.yield
      }) : () -> ()
    } else {
    }
    %barrier3A = arith.constant 0 : index
    tpu.barrier barrier_id(%barrier3A)
    %mul3A_5 = arith.constant 80 : i32
    %mul3A_6 = arith.muli %add3A, %mul3A_5 : i32
    %add3A_7 = arith.constant 0 : i32
    %add3A_8 = arith.addi %mul3A_6, %add3A_7 : i32
    "tpu.region"() ({
      %run_scoped3A = tpu.sem_alloc : memref<!tpu.dma_semaphore, #tpu.memory_space<semaphore_mem>>
      %dma_start3A_54 = arith.constant 0 : i32
      %dma_start3A_55 = tpu.memref_slice %arg2[%add3A_8, %dma_start3A_54] : memref<2560x128xi32, #tpu.memory_space<hbm>> -> memref<40x128xi32, #tpu.memory_space<hbm>>
      %dma_start3A_56 = arith.constant 0 : i32
      %dma_start3A_57 = tpu.memref_slice %arg2[%add3A_8, %dma_start3A_56] : memref<2560x128xi32, #tpu.memory_space<hbm>> -> memref<40x128xi32, #tpu.memory_space<hbm>>
      tpu.enqueue_dma source(%dma_start3A_57 : memref<40x128xi32, #tpu.memory_space<hbm>>) target(%arg8 : memref<40x128xi32, #tpu.memory_space<vmem>>) target_semaphore(%run_scoped3A : memref<!tpu.dma_semaphore, #tpu.memory_space<semaphore_mem>>)
      %dma_wait3A_58 = arith.constant 0 : i32
      %dma_wait3A_59 = tpu.memref_slice %arg2[%add3A_8, %dma_wait3A_58] : memref<2560x128xi32, #tpu.memory_space<hbm>> -> memref<40x128xi32, #tpu.memory_space<hbm>>
      %dma_wait3A_60 = arith.constant 0 : i32
      %dma_wait3A_61 = tpu.memref_slice %arg2[%add3A_8, %dma_wait3A_60] : memref<2560x128xi32, #tpu.memory_space<hbm>> -> memref<40x128xi32, #tpu.memory_space<hbm>>
      tpu.wait_dma2 semaphore(%run_scoped3A : memref<!tpu.dma_semaphore, #tpu.memory_space<semaphore_mem>>) src(%dma_wait3A_61 : memref<40x128xi32, #tpu.memory_space<hbm>>) dst(%arg8 : memref<40x128xi32, #tpu.memory_space<vmem>>)
      tpu.yield
    }) : () -> ()
    "tpu.region"() ({
      %run_scoped3A = tpu.sem_alloc : memref<!tpu.dma_semaphore, #tpu.memory_space<semaphore_mem>>
      %dma_start3A_54 = arith.constant 0 : i32
      %dma_start3A_55 = tpu.memref_slice %arg3[%add3A_8, %dma_start3A_54] : memref<2560x128xi32, #tpu.memory_space<hbm>> -> memref<40x128xi32, #tpu.memory_space<hbm>>
      %dma_start3A_56 = arith.constant 0 : i32
      %dma_start3A_57 = tpu.memref_slice %arg3[%add3A_8, %dma_start3A_56] : memref<2560x128xi32, #tpu.memory_space<hbm>> -> memref<40x128xi32, #tpu.memory_space<hbm>>
      tpu.enqueue_dma source(%dma_start3A_57 : memref<40x128xi32, #tpu.memory_space<hbm>>) target(%arg9 : memref<40x128xi32, #tpu.memory_space<vmem>>) target_semaphore(%run_scoped3A : memref<!tpu.dma_semaphore, #tpu.memory_space<semaphore_mem>>)
      %dma_wait3A_58 = arith.constant 0 : i32
      %dma_wait3A_59 = tpu.memref_slice %arg3[%add3A_8, %dma_wait3A_58] : memref<2560x128xi32, #tpu.memory_space<hbm>> -> memref<40x128xi32, #tpu.memory_space<hbm>>
      %dma_wait3A_60 = arith.constant 0 : i32
      %dma_wait3A_61 = tpu.memref_slice %arg3[%add3A_8, %dma_wait3A_60] : memref<2560x128xi32, #tpu.memory_space<hbm>> -> memref<40x128xi32, #tpu.memory_space<hbm>>
      tpu.wait_dma2 semaphore(%run_scoped3A : memref<!tpu.dma_semaphore, #tpu.memory_space<semaphore_mem>>) src(%dma_wait3A_61 : memref<40x128xi32, #tpu.memory_space<hbm>>) dst(%arg9 : memref<40x128xi32, #tpu.memory_space<vmem>>)
      tpu.yield
    }) : () -> ()
    %dma_start3A = arith.constant 0 : i32
    %dma_start3A_9 = arith.constant 0 : i32
    %dma_start3A_10 = tpu.memref_slice %arg8[%dma_start3A, %dma_start3A_9] : memref<40x128xi32, #tpu.memory_space<vmem>> -> memref<1x128xi32, #tpu.memory_space<vmem>>
    %dma_start3A_11 = tpu.memref_squeeze %dma_start3A_10 : memref<1x128xi32, #tpu.memory_space<vmem>> -> memref<128xi32, #tpu.memory_space<vmem>>
    %dma_start3A_12 = arith.constant 0 : i32
    %dma_start3A_13 = arith.constant 0 : i32
    %dma_start3A_14 = tpu.memref_slice %arg4[%dma_start3A_12, %dma_start3A_13] : memref<10000x128xf32, #tpu.memory_space<hbm>> -> memref<10000x128xf32, #tpu.memory_space<hbm>>
    tpu.enqueue_indirect_dma source(%dma_start3A_14 : memref<10000x128xf32, #tpu.memory_space<hbm>>) target(%arg10 : memref<128x128xf32, #tpu.memory_space<vmem>>) offsets(%dma_start3A_11 : memref<128xi32, #tpu.memory_space<vmem>>) semaphore(%arg12 : memref<!tpu.dma_semaphore, #tpu.memory_space<semaphore_mem>>)
    %scan3A = arith.constant 0 : i32
    %scan3A_15 = arith.constant 0 : i32
    %scan3A_16 = arith.constant 20 : i32
    %scan3A_17 = arith.addi %scan3A_15, %scan3A_16 : i32
    %scan3A_18 = arith.constant 1 : i32
    scf.for %scan3A_54 = %scan3A_15 to %scan3A_17 step %scan3A_18  : i32 {
      %mul3A_55 = arith.constant 2 : i32
      %mul3A_56 = arith.muli %mul3A_55, %scan3A_54 : i32
      %dma_wait3A_57 = arith.constant 0 : i32
      %dma_wait3A_58 = arith.constant 0 : i32
      %dma_wait3A_59 = tpu.memref_slice %arg4[%dma_wait3A_57, %dma_wait3A_58] : memref<10000x128xf32, #tpu.memory_space<hbm>> -> memref<128x128xf32, #tpu.memory_space<hbm>>
      %dma_wait3A_60 = arith.constant 0 : i32
      %dma_wait3A_61 = arith.constant 0 : i32
      %dma_wait3A_62 = tpu.memref_slice %arg4[%dma_wait3A_60, %dma_wait3A_61] : memref<10000x128xf32, #tpu.memory_space<hbm>> -> memref<128x128xf32, #tpu.memory_space<hbm>>
      tpu.wait_dma2 semaphore(%arg12 : memref<!tpu.dma_semaphore, #tpu.memory_space<semaphore_mem>>) src(%dma_wait3A_62 : memref<128x128xf32, #tpu.memory_space<hbm>>) dst(%arg10 : memref<128x128xf32, #tpu.memory_space<vmem>>)
      %dma_start3A_63 = arith.constant 0 : i32
      %dma_start3A_64 = tpu.memref_slice %arg9[%mul3A_56, %dma_start3A_63] : memref<40x128xi32, #tpu.memory_space<vmem>> -> memref<1x128xi32, #tpu.memory_space<vmem>>
      %dma_start3A_65 = tpu.memref_squeeze %dma_start3A_64 : memref<1x128xi32, #tpu.memory_space<vmem>> -> memref<128xi32, #tpu.memory_space<vmem>>
      %dma_start3A_66 = arith.constant 0 : i32
      %dma_start3A_67 = arith.constant 0 : i32
      %dma_start3A_68 = tpu.memref_slice %arg7[%dma_start3A_66, %dma_start3A_67] : memref<10008x128xf32, #tpu.memory_space<vmem_shared>> -> memref<10008x128xf32, #tpu.memory_space<vmem_shared>>
      tpu.enqueue_indirect_dma source(%arg10 : memref<128x128xf32, #tpu.memory_space<vmem>>) target(%dma_start3A_68 : memref<10008x128xf32, #tpu.memory_space<vmem_shared>>) offsets(%dma_start3A_65 : memref<128xi32, #tpu.memory_space<vmem>>) semaphore(%arg13 : memref<!tpu.dma_semaphore, #tpu.memory_space<semaphore_mem>>) {add = true}
      %gt3A = arith.constant 0 : i32
      %gt3A_69 = arith.cmpi sgt, %scan3A_54, %gt3A : i32
      %convert_element_type3A_70 = arith.extui %gt3A_69 : i1 to i32
      %cond3A_71 = arith.constant 0 : i32
      %cond3A_72 = arith.cmpi ne, %convert_element_type3A_70, %cond3A_71 : i32
      scf.if %cond3A_72 {
        %dma_wait3A_107 = arith.constant 0 : i32
        %dma_wait3A_108 = arith.constant 0 : i32
        %dma_wait3A_109 = tpu.memref_slice %arg4[%dma_wait3A_107, %dma_wait3A_108] : memref<10000x128xf32, #tpu.memory_space<hbm>> -> memref<128x128xf32, #tpu.memory_space<hbm>>
        %dma_wait3A_110 = arith.constant 0 : i32
        %dma_wait3A_111 = arith.constant 0 : i32
        %dma_wait3A_112 = tpu.memref_slice %arg4[%dma_wait3A_110, %dma_wait3A_111] : memref<10000x128xf32, #tpu.memory_space<hbm>> -> memref<128x128xf32, #tpu.memory_space<hbm>>
        tpu.wait_dma2 semaphore(%arg14 : memref<!tpu.dma_semaphore, #tpu.memory_space<semaphore_mem>>) src(%dma_wait3A_112 : memref<128x128xf32, #tpu.memory_space<hbm>>) dst(%arg11 : memref<128x128xf32, #tpu.memory_space<vmem>>)
      } else {
      }
      %add3A_73 = arith.constant 1 : i32
      %add3A_74 = arith.addi %mul3A_56, %add3A_73 : i32
      %dma_start3A_75 = arith.constant 0 : i32
      %dma_start3A_76 = tpu.memref_slice %arg8[%add3A_74, %dma_start3A_75] : memref<40x128xi32, #tpu.memory_space<vmem>> -> memref<1x128xi32, #tpu.memory_space<vmem>>
      %dma_start3A_77 = tpu.memref_squeeze %dma_start3A_76 : memref<1x128xi32, #tpu.memory_space<vmem>> -> memref<128xi32, #tpu.memory_space<vmem>>
      %dma_start3A_78 = arith.constant 0 : i32
      %dma_start3A_79 = arith.constant 0 : i32
      %dma_start3A_80 = tpu.memref_slice %arg4[%dma_start3A_78, %dma_start3A_79] : memref<10000x128xf32, #tpu.memory_space<hbm>> -> memref<10000x128xf32, #tpu.memory_space<hbm>>
      tpu.enqueue_indirect_dma source(%dma_start3A_80 : memref<10000x128xf32, #tpu.memory_space<hbm>>) target(%arg11 : memref<128x128xf32, #tpu.memory_space<vmem>>) offsets(%dma_start3A_77 : memref<128xi32, #tpu.memory_space<vmem>>) semaphore(%arg12 : memref<!tpu.dma_semaphore, #tpu.memory_space<semaphore_mem>>)
      %dma_wait3A_81 = arith.constant 0 : i32
      %dma_wait3A_82 = arith.constant 0 : i32
      %dma_wait3A_83 = tpu.memref_slice %arg4[%dma_wait3A_81, %dma_wait3A_82] : memref<10000x128xf32, #tpu.memory_space<hbm>> -> memref<128x128xf32, #tpu.memory_space<hbm>>
      %dma_wait3A_84 = arith.constant 0 : i32
      %dma_wait3A_85 = arith.constant 0 : i32
      %dma_wait3A_86 = tpu.memref_slice %arg4[%dma_wait3A_84, %dma_wait3A_85] : memref<10000x128xf32, #tpu.memory_space<hbm>> -> memref<128x128xf32, #tpu.memory_space<hbm>>
      tpu.wait_dma2 semaphore(%arg12 : memref<!tpu.dma_semaphore, #tpu.memory_space<semaphore_mem>>) src(%dma_wait3A_86 : memref<128x128xf32, #tpu.memory_space<hbm>>) dst(%arg11 : memref<128x128xf32, #tpu.memory_space<vmem>>)
      %add3A_87 = arith.constant 1 : i32
      %add3A_88 = arith.addi %mul3A_56, %add3A_87 : i32
      %dma_start3A_89 = arith.constant 0 : i32
      %dma_start3A_90 = tpu.memref_slice %arg9[%add3A_88, %dma_start3A_89] : memref<40x128xi32, #tpu.memory_space<vmem>> -> memref<1x128xi32, #tpu.memory_space<vmem>>
      %dma_start3A_91 = tpu.memref_squeeze %dma_start3A_90 : memref<1x128xi32, #tpu.memory_space<vmem>> -> memref<128xi32, #tpu.memory_space<vmem>>
      %dma_start3A_92 = arith.constant 0 : i32
      %dma_start3A_93 = arith.constant 0 : i32
      %dma_start3A_94 = tpu.memref_slice %arg7[%dma_start3A_92, %dma_start3A_93] : memref<10008x128xf32, #tpu.memory_space<vmem_shared>> -> memref<10008x128xf32, #tpu.memory_space<vmem_shared>>
      tpu.enqueue_indirect_dma source(%arg11 : memref<128x128xf32, #tpu.memory_space<vmem>>) target(%dma_start3A_94 : memref<10008x128xf32, #tpu.memory_space<vmem_shared>>) offsets(%dma_start3A_91 : memref<128xi32, #tpu.memory_space<vmem>>) semaphore(%arg14 : memref<!tpu.dma_semaphore, #tpu.memory_space<semaphore_mem>>) {add = true}
      %dma_wait3A_95 = arith.constant 0 : i32
      %dma_wait3A_96 = arith.constant 0 : i32
      %dma_wait3A_97 = tpu.memref_slice %arg4[%dma_wait3A_95, %dma_wait3A_96] : memref<10000x128xf32, #tpu.memory_space<hbm>> -> memref<128x128xf32, #tpu.memory_space<hbm>>
      %dma_wait3A_98 = arith.constant 0 : i32
      %dma_wait3A_99 = arith.constant 0 : i32
      %dma_wait3A_100 = tpu.memref_slice %arg4[%dma_wait3A_98, %dma_wait3A_99] : memref<10000x128xf32, #tpu.memory_space<hbm>> -> memref<128x128xf32, #tpu.memory_space<hbm>>
      tpu.wait_dma2 semaphore(%arg13 : memref<!tpu.dma_semaphore, #tpu.memory_space<semaphore_mem>>) src(%dma_wait3A_100 : memref<128x128xf32, #tpu.memory_space<hbm>>) dst(%arg10 : memref<128x128xf32, #tpu.memory_space<vmem>>)
      %add3A_101 = arith.constant 1 : i32
      %add3A_102 = arith.addi %scan3A_54, %add3A_101 : i32
      %lt3A = arith.constant 20 : i32
      %lt3A_103 = arith.cmpi slt, %add3A_102, %lt3A : i32
      %convert_element_type3A_104 = arith.extui %lt3A_103 : i1 to i32
      %cond3A_105 = arith.constant 0 : i32
      %cond3A_106 = arith.cmpi ne, %convert_element_type3A_104, %cond3A_105 : i32
      scf.if %cond3A_106 {
        %add3A_107 = arith.constant 2 : i32
        %add3A_108 = arith.addi %mul3A_56, %add3A_107 : i32
        %dma_start3A_109 = arith.constant 0 : i32
        %dma_start3A_110 = tpu.memref_slice %arg8[%add3A_108, %dma_start3A_109] : memref<40x128xi32, #tpu.memory_space<vmem>> -> memref<1x128xi32, #tpu.memory_space<vmem>>
        %dma_start3A_111 = tpu.memref_squeeze %dma_start3A_110 : memref<1x128xi32, #tpu.memory_space<vmem>> -> memref<128xi32, #tpu.memory_space<vmem>>
        %dma_start3A_112 = arith.constant 0 : i32
        %dma_start3A_113 = arith.constant 0 : i32
        %dma_start3A_114 = tpu.memref_slice %arg4[%dma_start3A_112, %dma_start3A_113] : memref<10000x128xf32, #tpu.memory_space<hbm>> -> memref<10000x128xf32, #tpu.memory_space<hbm>>
        tpu.enqueue_indirect_dma source(%dma_start3A_114 : memref<10000x128xf32, #tpu.memory_space<hbm>>) target(%arg10 : memref<128x128xf32, #tpu.memory_space<vmem>>) offsets(%dma_start3A_111 : memref<128xi32, #tpu.memory_space<vmem>>) semaphore(%arg12 : memref<!tpu.dma_semaphore, #tpu.memory_space<semaphore_mem>>)
      } else {
      }
    }
    %scan3A_19 = arith.constant 20 : i32
    %dma_wait3A = arith.constant 0 : i32
    %dma_wait3A_20 = arith.constant 0 : i32
    %dma_wait3A_21 = tpu.memref_slice %arg4[%dma_wait3A, %dma_wait3A_20] : memref<10000x128xf32, #tpu.memory_space<hbm>> -> memref<128x128xf32, #tpu.memory_space<hbm>>
    %dma_wait3A_22 = arith.constant 0 : i32
    %dma_wait3A_23 = arith.constant 0 : i32
    %dma_wait3A_24 = tpu.memref_slice %arg4[%dma_wait3A_22, %dma_wait3A_23] : memref<10000x128xf32, #tpu.memory_space<hbm>> -> memref<128x128xf32, #tpu.memory_space<hbm>>
    tpu.wait_dma2 semaphore(%arg14 : memref<!tpu.dma_semaphore, #tpu.memory_space<semaphore_mem>>) src(%dma_wait3A_24 : memref<128x128xf32, #tpu.memory_space<hbm>>) dst(%arg11 : memref<128x128xf32, #tpu.memory_space<vmem>>)
    %mul3A_25 = arith.constant 80 : i32
    %mul3A_26 = arith.muli %add3A, %mul3A_25 : i32
    %add3A_27 = arith.constant 40 : i32
    %add3A_28 = arith.addi %mul3A_26, %add3A_27 : i32
    "tpu.region"() ({
      %run_scoped3A = tpu.sem_alloc : memref<!tpu.dma_semaphore, #tpu.memory_space<semaphore_mem>>
      %dma_start3A_54 = arith.constant 0 : i32
      %dma_start3A_55 = tpu.memref_slice %arg2[%add3A_28, %dma_start3A_54] : memref<2560x128xi32, #tpu.memory_space<hbm>> -> memref<40x128xi32, #tpu.memory_space<hbm>>
      %dma_start3A_56 = arith.constant 0 : i32
      %dma_start3A_57 = tpu.memref_slice %arg2[%add3A_28, %dma_start3A_56] : memref<2560x128xi32, #tpu.memory_space<hbm>> -> memref<40x128xi32, #tpu.memory_space<hbm>>
      tpu.enqueue_dma source(%dma_start3A_57 : memref<40x128xi32, #tpu.memory_space<hbm>>) target(%arg8 : memref<40x128xi32, #tpu.memory_space<vmem>>) target_semaphore(%run_scoped3A : memref<!tpu.dma_semaphore, #tpu.memory_space<semaphore_mem>>)
      %dma_wait3A_58 = arith.constant 0 : i32
      %dma_wait3A_59 = tpu.memref_slice %arg2[%add3A_28, %dma_wait3A_58] : memref<2560x128xi32, #tpu.memory_space<hbm>> -> memref<40x128xi32, #tpu.memory_space<hbm>>
      %dma_wait3A_60 = arith.constant 0 : i32
      %dma_wait3A_61 = tpu.memref_slice %arg2[%add3A_28, %dma_wait3A_60] : memref<2560x128xi32, #tpu.memory_space<hbm>> -> memref<40x128xi32, #tpu.memory_space<hbm>>
      tpu.wait_dma2 semaphore(%run_scoped3A : memref<!tpu.dma_semaphore, #tpu.memory_space<semaphore_mem>>) src(%dma_wait3A_61 : memref<40x128xi32, #tpu.memory_space<hbm>>) dst(%arg8 : memref<40x128xi32, #tpu.memory_space<vmem>>)
      tpu.yield
    }) : () -> ()
    "tpu.region"() ({
      %run_scoped3A = tpu.sem_alloc : memref<!tpu.dma_semaphore, #tpu.memory_space<semaphore_mem>>
      %dma_start3A_54 = arith.constant 0 : i32
      %dma_start3A_55 = tpu.memref_slice %arg3[%add3A_28, %dma_start3A_54] : memref<2560x128xi32, #tpu.memory_space<hbm>> -> memref<40x128xi32, #tpu.memory_space<hbm>>
      %dma_start3A_56 = arith.constant 0 : i32
      %dma_start3A_57 = tpu.memref_slice %arg3[%add3A_28, %dma_start3A_56] : memref<2560x128xi32, #tpu.memory_space<hbm>> -> memref<40x128xi32, #tpu.memory_space<hbm>>
      tpu.enqueue_dma source(%dma_start3A_57 : memref<40x128xi32, #tpu.memory_space<hbm>>) target(%arg9 : memref<40x128xi32, #tpu.memory_space<vmem>>) target_semaphore(%run_scoped3A : memref<!tpu.dma_semaphore, #tpu.memory_space<semaphore_mem>>)
      %dma_wait3A_58 = arith.constant 0 : i32
      %dma_wait3A_59 = tpu.memref_slice %arg3[%add3A_28, %dma_wait3A_58] : memref<2560x128xi32, #tpu.memory_space<hbm>> -> memref<40x128xi32, #tpu.memory_space<hbm>>
      %dma_wait3A_60 = arith.constant 0 : i32
      %dma_wait3A_61 = tpu.memref_slice %arg3[%add3A_28, %dma_wait3A_60] : memref<2560x128xi32, #tpu.memory_space<hbm>> -> memref<40x128xi32, #tpu.memory_space<hbm>>
      tpu.wait_dma2 semaphore(%run_scoped3A : memref<!tpu.dma_semaphore, #tpu.memory_space<semaphore_mem>>) src(%dma_wait3A_61 : memref<40x128xi32, #tpu.memory_space<hbm>>) dst(%arg9 : memref<40x128xi32, #tpu.memory_space<vmem>>)
      tpu.yield
    }) : () -> ()
    %dma_start3A_29 = arith.constant 0 : i32
    %dma_start3A_30 = arith.constant 0 : i32
    %dma_start3A_31 = tpu.memref_slice %arg8[%dma_start3A_29, %dma_start3A_30] : memref<40x128xi32, #tpu.memory_space<vmem>> -> memref<1x128xi32, #tpu.memory_space<vmem>>
    %dma_start3A_32 = tpu.memref_squeeze %dma_start3A_31 : memref<1x128xi32, #tpu.memory_space<vmem>> -> memref<128xi32, #tpu.memory_space<vmem>>
    %dma_start3A_33 = arith.constant 0 : i32
    %dma_start3A_34 = arith.constant 0 : i32
    %dma_start3A_35 = tpu.memref_slice %arg4[%dma_start3A_33, %dma_start3A_34] : memref<10000x128xf32, #tpu.memory_space<hbm>> -> memref<10000x128xf32, #tpu.memory_space<hbm>>
    tpu.enqueue_indirect_dma source(%dma_start3A_35 : memref<10000x128xf32, #tpu.memory_space<hbm>>) target(%arg10 : memref<128x128xf32, #tpu.memory_space<vmem>>) offsets(%dma_start3A_32 : memref<128xi32, #tpu.memory_space<vmem>>) semaphore(%arg12 : memref<!tpu.dma_semaphore, #tpu.memory_space<semaphore_mem>>)
    %scan3A_36 = arith.constant 0 : i32
    %scan3A_37 = arith.constant 0 : i32
    %scan3A_38 = arith.constant 20 : i32
    %scan3A_39 = arith.addi %scan3A_37, %scan3A_38 : i32
    %scan3A_40 = arith.constant 1 : i32
    scf.for %scan3A_54 = %scan3A_37 to %scan3A_39 step %scan3A_40  : i32 {
      %mul3A_55 = arith.constant 2 : i32
      %mul3A_56 = arith.muli %mul3A_55, %scan3A_54 : i32
      %dma_wait3A_57 = arith.constant 0 : i32
      %dma_wait3A_58 = arith.constant 0 : i32
      %dma_wait3A_59 = tpu.memref_slice %arg4[%dma_wait3A_57, %dma_wait3A_58] : memref<10000x128xf32, #tpu.memory_space<hbm>> -> memref<128x128xf32, #tpu.memory_space<hbm>>
      %dma_wait3A_60 = arith.constant 0 : i32
      %dma_wait3A_61 = arith.constant 0 : i32
      %dma_wait3A_62 = tpu.memref_slice %arg4[%dma_wait3A_60, %dma_wait3A_61] : memref<10000x128xf32, #tpu.memory_space<hbm>> -> memref<128x128xf32, #tpu.memory_space<hbm>>
      tpu.wait_dma2 semaphore(%arg12 : memref<!tpu.dma_semaphore, #tpu.memory_space<semaphore_mem>>) src(%dma_wait3A_62 : memref<128x128xf32, #tpu.memory_space<hbm>>) dst(%arg10 : memref<128x128xf32, #tpu.memory_space<vmem>>)
      %dma_start3A_63 = arith.constant 0 : i32
      %dma_start3A_64 = tpu.memref_slice %arg9[%mul3A_56, %dma_start3A_63] : memref<40x128xi32, #tpu.memory_space<vmem>> -> memref<1x128xi32, #tpu.memory_space<vmem>>
      %dma_start3A_65 = tpu.memref_squeeze %dma_start3A_64 : memref<1x128xi32, #tpu.memory_space<vmem>> -> memref<128xi32, #tpu.memory_space<vmem>>
      %dma_start3A_66 = arith.constant 0 : i32
      %dma_start3A_67 = arith.constant 0 : i32
      %dma_start3A_68 = tpu.memref_slice %arg7[%dma_start3A_66, %dma_start3A_67] : memref<10008x128xf32, #tpu.memory_space<vmem_shared>> -> memref<10008x128xf32, #tpu.memory_space<vmem_shared>>
      tpu.enqueue_indirect_dma source(%arg10 : memref<128x128xf32, #tpu.memory_space<vmem>>) target(%dma_start3A_68 : memref<10008x128xf32, #tpu.memory_space<vmem_shared>>) offsets(%dma_start3A_65 : memref<128xi32, #tpu.memory_space<vmem>>) semaphore(%arg13 : memref<!tpu.dma_semaphore, #tpu.memory_space<semaphore_mem>>) {add = true}
      %gt3A = arith.constant 0 : i32
      %gt3A_69 = arith.cmpi sgt, %scan3A_54, %gt3A : i32
      %convert_element_type3A_70 = arith.extui %gt3A_69 : i1 to i32
      %cond3A_71 = arith.constant 0 : i32
      %cond3A_72 = arith.cmpi ne, %convert_element_type3A_70, %cond3A_71 : i32
      scf.if %cond3A_72 {
        %dma_wait3A_107 = arith.constant 0 : i32
        %dma_wait3A_108 = arith.constant 0 : i32
        %dma_wait3A_109 = tpu.memref_slice %arg4[%dma_wait3A_107, %dma_wait3A_108] : memref<10000x128xf32, #tpu.memory_space<hbm>> -> memref<128x128xf32, #tpu.memory_space<hbm>>
        %dma_wait3A_110 = arith.constant 0 : i32
        %dma_wait3A_111 = arith.constant 0 : i32
        %dma_wait3A_112 = tpu.memref_slice %arg4[%dma_wait3A_110, %dma_wait3A_111] : memref<10000x128xf32, #tpu.memory_space<hbm>> -> memref<128x128xf32, #tpu.memory_space<hbm>>
        tpu.wait_dma2 semaphore(%arg14 : memref<!tpu.dma_semaphore, #tpu.memory_space<semaphore_mem>>) src(%dma_wait3A_112 : memref<128x128xf32, #tpu.memory_space<hbm>>) dst(%arg11 : memref<128x128xf32, #tpu.memory_space<vmem>>)
      } else {
      }
      %add3A_73 = arith.constant 1 : i32
      %add3A_74 = arith.addi %mul3A_56, %add3A_73 : i32
      %dma_start3A_75 = arith.constant 0 : i32
      %dma_start3A_76 = tpu.memref_slice %arg8[%add3A_74, %dma_start3A_75] : memref<40x128xi32, #tpu.memory_space<vmem>> -> memref<1x128xi32, #tpu.memory_space<vmem>>
      %dma_start3A_77 = tpu.memref_squeeze %dma_start3A_76 : memref<1x128xi32, #tpu.memory_space<vmem>> -> memref<128xi32, #tpu.memory_space<vmem>>
      %dma_start3A_78 = arith.constant 0 : i32
      %dma_start3A_79 = arith.constant 0 : i32
      %dma_start3A_80 = tpu.memref_slice %arg4[%dma_start3A_78, %dma_start3A_79] : memref<10000x128xf32, #tpu.memory_space<hbm>> -> memref<10000x128xf32, #tpu.memory_space<hbm>>
      tpu.enqueue_indirect_dma source(%dma_start3A_80 : memref<10000x128xf32, #tpu.memory_space<hbm>>) target(%arg11 : memref<128x128xf32, #tpu.memory_space<vmem>>) offsets(%dma_start3A_77 : memref<128xi32, #tpu.memory_space<vmem>>) semaphore(%arg12 : memref<!tpu.dma_semaphore, #tpu.memory_space<semaphore_mem>>)
      %dma_wait3A_81 = arith.constant 0 : i32
      %dma_wait3A_82 = arith.constant 0 : i32
      %dma_wait3A_83 = tpu.memref_slice %arg4[%dma_wait3A_81, %dma_wait3A_82] : memref<10000x128xf32, #tpu.memory_space<hbm>> -> memref<128x128xf32, #tpu.memory_space<hbm>>
      %dma_wait3A_84 = arith.constant 0 : i32
      %dma_wait3A_85 = arith.constant 0 : i32
      %dma_wait3A_86 = tpu.memref_slice %arg4[%dma_wait3A_84, %dma_wait3A_85] : memref<10000x128xf32, #tpu.memory_space<hbm>> -> memref<128x128xf32, #tpu.memory_space<hbm>>
      tpu.wait_dma2 semaphore(%arg12 : memref<!tpu.dma_semaphore, #tpu.memory_space<semaphore_mem>>) src(%dma_wait3A_86 : memref<128x128xf32, #tpu.memory_space<hbm>>) dst(%arg11 : memref<128x128xf32, #tpu.memory_space<vmem>>)
      %add3A_87 = arith.constant 1 : i32
      %add3A_88 = arith.addi %mul3A_56, %add3A_87 : i32
      %dma_start3A_89 = arith.constant 0 : i32
      %dma_start3A_90 = tpu.memref_slice %arg9[%add3A_88, %dma_start3A_89] : memref<40x128xi32, #tpu.memory_space<vmem>> -> memref<1x128xi32, #tpu.memory_space<vmem>>
      %dma_start3A_91 = tpu.memref_squeeze %dma_start3A_90 : memref<1x128xi32, #tpu.memory_space<vmem>> -> memref<128xi32, #tpu.memory_space<vmem>>
      %dma_start3A_92 = arith.constant 0 : i32
      %dma_start3A_93 = arith.constant 0 : i32
      %dma_start3A_94 = tpu.memref_slice %arg7[%dma_start3A_92, %dma_start3A_93] : memref<10008x128xf32, #tpu.memory_space<vmem_shared>> -> memref<10008x128xf32, #tpu.memory_space<vmem_shared>>
      tpu.enqueue_indirect_dma source(%arg11 : memref<128x128xf32, #tpu.memory_space<vmem>>) target(%dma_start3A_94 : memref<10008x128xf32, #tpu.memory_space<vmem_shared>>) offsets(%dma_start3A_91 : memref<128xi32, #tpu.memory_space<vmem>>) semaphore(%arg14 : memref<!tpu.dma_semaphore, #tpu.memory_space<semaphore_mem>>) {add = true}
      %dma_wait3A_95 = arith.constant 0 : i32
      %dma_wait3A_96 = arith.constant 0 : i32
      %dma_wait3A_97 = tpu.memref_slice %arg4[%dma_wait3A_95, %dma_wait3A_96] : memref<10000x128xf32, #tpu.memory_space<hbm>> -> memref<128x128xf32, #tpu.memory_space<hbm>>
      %dma_wait3A_98 = arith.constant 0 : i32
      %dma_wait3A_99 = arith.constant 0 : i32
      %dma_wait3A_100 = tpu.memref_slice %arg4[%dma_wait3A_98, %dma_wait3A_99] : memref<10000x128xf32, #tpu.memory_space<hbm>> -> memref<128x128xf32, #tpu.memory_space<hbm>>
      tpu.wait_dma2 semaphore(%arg13 : memref<!tpu.dma_semaphore, #tpu.memory_space<semaphore_mem>>) src(%dma_wait3A_100 : memref<128x128xf32, #tpu.memory_space<hbm>>) dst(%arg10 : memref<128x128xf32, #tpu.memory_space<vmem>>)
      %add3A_101 = arith.constant 1 : i32
      %add3A_102 = arith.addi %scan3A_54, %add3A_101 : i32
      %lt3A = arith.constant 20 : i32
      %lt3A_103 = arith.cmpi slt, %add3A_102, %lt3A : i32
      %convert_element_type3A_104 = arith.extui %lt3A_103 : i1 to i32
      %cond3A_105 = arith.constant 0 : i32
      %cond3A_106 = arith.cmpi ne, %convert_element_type3A_104, %cond3A_105 : i32
      scf.if %cond3A_106 {
        %add3A_107 = arith.constant 2 : i32
        %add3A_108 = arith.addi %mul3A_56, %add3A_107 : i32
        %dma_start3A_109 = arith.constant 0 : i32
        %dma_start3A_110 = tpu.memref_slice %arg8[%add3A_108, %dma_start3A_109] : memref<40x128xi32, #tpu.memory_space<vmem>> -> memref<1x128xi32, #tpu.memory_space<vmem>>
        %dma_start3A_111 = tpu.memref_squeeze %dma_start3A_110 : memref<1x128xi32, #tpu.memory_space<vmem>> -> memref<128xi32, #tpu.memory_space<vmem>>
        %dma_start3A_112 = arith.constant 0 : i32
        %dma_start3A_113 = arith.constant 0 : i32
        %dma_start3A_114 = tpu.memref_slice %arg4[%dma_start3A_112, %dma_start3A_113] : memref<10000x128xf32, #tpu.memory_space<hbm>> -> memref<10000x128xf32, #tpu.memory_space<hbm>>
        tpu.enqueue_indirect_dma source(%dma_start3A_114 : memref<10000x128xf32, #tpu.memory_space<hbm>>) target(%arg10 : memref<128x128xf32, #tpu.memory_space<vmem>>) offsets(%dma_start3A_111 : memref<128xi32, #tpu.memory_space<vmem>>) semaphore(%arg12 : memref<!tpu.dma_semaphore, #tpu.memory_space<semaphore_mem>>)
      } else {
      }
    }
    %scan3A_41 = arith.constant 20 : i32
    %dma_wait3A_42 = arith.constant 0 : i32
    %dma_wait3A_43 = arith.constant 0 : i32
    %dma_wait3A_44 = tpu.memref_slice %arg4[%dma_wait3A_42, %dma_wait3A_43] : memref<10000x128xf32, #tpu.memory_space<hbm>> -> memref<128x128xf32, #tpu.memory_space<hbm>>
    %dma_wait3A_45 = arith.constant 0 : i32
    %dma_wait3A_46 = arith.constant 0 : i32
    %dma_wait3A_47 = tpu.memref_slice %arg4[%dma_wait3A_45, %dma_wait3A_46] : memref<10000x128xf32, #tpu.memory_space<hbm>> -> memref<128x128xf32, #tpu.memory_space<hbm>>
    tpu.wait_dma2 semaphore(%arg14 : memref<!tpu.dma_semaphore, #tpu.memory_space<semaphore_mem>>) src(%dma_wait3A_47 : memref<128x128xf32, #tpu.memory_space<hbm>>) dst(%arg11 : memref<128x128xf32, #tpu.memory_space<vmem>>)
    %barrier3A_48 = arith.constant 0 : index
    tpu.barrier barrier_id(%barrier3A_48)
    "tpu.region"() ({
      %run_scoped3A = tpu.sem_alloc : memref<!tpu.dma_semaphore, #tpu.memory_space<semaphore_mem>>
      %dma_start3A_54 = arith.constant 0 : i32
      %dma_start3A_55 = tpu.memref_slice %arg6[%arg0, %mul3A_2, %dma_start3A_54] : memref<2x10000x128xf32, #tpu.memory_space<hbm>> -> memref<1x624x128xf32, #tpu.memory_space<hbm>>
      %dma_start3A_56 = tpu.memref_squeeze %dma_start3A_55 : memref<1x624x128xf32, #tpu.memory_space<hbm>> -> memref<624x128xf32, #tpu.memory_space<hbm>>
      %dma_start3A_57 = arith.constant 0 : i32
      %dma_start3A_58 = tpu.memref_slice %arg7[%mul3A_2, %dma_start3A_57] : memref<10008x128xf32, #tpu.memory_space<vmem_shared>> -> memref<624x128xf32, #tpu.memory_space<vmem_shared>>
      tpu.enqueue_dma source(%dma_start3A_58 : memref<624x128xf32, #tpu.memory_space<vmem_shared>>) target(%dma_start3A_56 : memref<624x128xf32, #tpu.memory_space<hbm>>) target_semaphore(%run_scoped3A : memref<!tpu.dma_semaphore, #tpu.memory_space<semaphore_mem>>)
      %dma_wait3A_59 = arith.constant 0 : i32
      %dma_wait3A_60 = tpu.memref_slice %arg6[%arg0, %mul3A_2, %dma_wait3A_59] : memref<2x10000x128xf32, #tpu.memory_space<hbm>> -> memref<1x624x128xf32, #tpu.memory_space<hbm>>
      %dma_wait3A_61 = tpu.memref_squeeze %dma_wait3A_60 : memref<1x624x128xf32, #tpu.memory_space<hbm>> -> memref<624x128xf32, #tpu.memory_space<hbm>>
      %dma_wait3A_62 = arith.constant 0 : i32
      %dma_wait3A_63 = tpu.memref_slice %arg7[%mul3A_2, %dma_wait3A_62] : memref<10008x128xf32, #tpu.memory_space<vmem_shared>> -> memref<624x128xf32, #tpu.memory_space<vmem_shared>>
      tpu.wait_dma2 semaphore(%run_scoped3A : memref<!tpu.dma_semaphore, #tpu.memory_space<semaphore_mem>>) src(%dma_wait3A_63 : memref<624x128xf32, #tpu.memory_space<vmem_shared>>) dst(%dma_wait3A_61 : memref<624x128xf32, #tpu.memory_space<hbm>>)
      tpu.yield
    }) : () -> ()
    %eq3A_49 = arith.constant 15 : i32
    %eq3A_50 = arith.cmpi eq, %arg1, %eq3A_49 : i32
    %convert_element_type3A_51 = arith.extui %eq3A_50 : i1 to i32
    %cond3A_52 = arith.constant 0 : i32
    %cond3A_53 = arith.cmpi ne, %convert_element_type3A_51, %cond3A_52 : i32
    scf.if %cond3A_53 {
      "tpu.region"() ({
        %run_scoped3A = tpu.sem_alloc : memref<!tpu.dma_semaphore, #tpu.memory_space<semaphore_mem>>
        %dma_start3A_54 = arith.constant 9984 : i32
        %dma_start3A_55 = arith.constant 0 : i32
        %dma_start3A_56 = tpu.memref_slice %arg6[%arg0, %dma_start3A_54, %dma_start3A_55] : memref<2x10000x128xf32, #tpu.memory_space<hbm>> -> memref<1x16x128xf32, #tpu.memory_space<hbm>>
        %dma_start3A_57 = tpu.memref_squeeze %dma_start3A_56 : memref<1x16x128xf32, #tpu.memory_space<hbm>> -> memref<16x128xf32, #tpu.memory_space<hbm>>
        %dma_start3A_58 = arith.constant 9984 : i32
        %dma_start3A_59 = arith.constant 0 : i32
        %dma_start3A_60 = tpu.memref_slice %arg7[%dma_start3A_58, %dma_start3A_59] : memref<10008x128xf32, #tpu.memory_space<vmem_shared>> -> memref<16x128xf32, #tpu.memory_space<vmem_shared>>
        tpu.enqueue_dma source(%dma_start3A_60 : memref<16x128xf32, #tpu.memory_space<vmem_shared>>) target(%dma_start3A_57 : memref<16x128xf32, #tpu.memory_space<hbm>>) target_semaphore(%run_scoped3A : memref<!tpu.dma_semaphore, #tpu.memory_space<semaphore_mem>>)
        %dma_wait3A_61 = arith.constant 9984 : i32
        %dma_wait3A_62 = arith.constant 0 : i32
        %dma_wait3A_63 = tpu.memref_slice %arg6[%arg0, %dma_wait3A_61, %dma_wait3A_62] : memref<2x10000x128xf32, #tpu.memory_space<hbm>> -> memref<1x16x128xf32, #tpu.memory_space<hbm>>
        %dma_wait3A_64 = tpu.memref_squeeze %dma_wait3A_63 : memref<1x16x128xf32, #tpu.memory_space<hbm>> -> memref<16x128xf32, #tpu.memory_space<hbm>>
        %dma_wait3A_65 = arith.constant 9984 : i32
        %dma_wait3A_66 = arith.constant 0 : i32
        %dma_wait3A_67 = tpu.memref_slice %arg7[%dma_wait3A_65, %dma_wait3A_66] : memref<10008x128xf32, #tpu.memory_space<vmem_shared>> -> memref<16x128xf32, #tpu.memory_space<vmem_shared>>
        tpu.wait_dma2 semaphore(%run_scoped3A : memref<!tpu.dma_semaphore, #tpu.memory_space<semaphore_mem>>) src(%dma_wait3A_67 : memref<16x128xf32, #tpu.memory_space<vmem_shared>>) dst(%dma_wait3A_64 : memref<16x128xf32, #tpu.memory_space<hbm>>)
        tpu.yield
      }) : () -> ()
    } else {
    }
    return
  }
}

#map = affine_map<(d0, d1) -> (0, 0)>
#map1 = affine_map<(d0, d1) -> (0, 0, 0)>
module attributes {stable_mosaic.version = 14 : i64} {
  func.func @_edge_kernel(%arg0: i32, %arg1: i32, %arg2: memref<2560x128xi32, #tpu.memory_space<hbm>>, %arg3: memref<2560x128xi32, #tpu.memory_space<hbm>>, %arg4: memref<10000x128xf32, #tpu.memory_space<hbm>>, %arg5: memref<10008x128xf32, #tpu.memory_space<hbm>>, %arg6: memref<2x10000x128xf32, #tpu.memory_space<hbm>>, %arg7: memref<10008x128xf32, #tpu.memory_space<vmem_shared>>, %arg8: memref<40x128xi32, #tpu.memory_space<vmem>>, %arg9: memref<40x128xi32, #tpu.memory_space<vmem>>, %arg10: memref<128x128xf32, #tpu.memory_space<vmem>>, %arg11: memref<128x128xf32, #tpu.memory_space<vmem>>, %arg12: memref<!tpu.dma_semaphore, #tpu.memory_space<semaphore_mem>>, %arg13: memref<!tpu.dma_semaphore, #tpu.memory_space<semaphore_mem>>, %arg14: memref<!tpu.dma_semaphore, #tpu.memory_space<semaphore_mem>>) attributes {dimension_semantics = [#tpu.dimension_semantics<core_parallel>, #tpu.dimension_semantics<subcore_parallel>], iteration_bounds = array<i64: 2, 16>, scalar_prefetch = 0 : i64, scratch_operands = 8 : i64, tpu.core_type = #tpu.core_type<sc_vector_subcore>, window_params = [{transform_indices = #map}, {transform_indices = #map}, {transform_indices = #map}, {transform_indices = #map}, {transform_indices = #map1}]} {
    %mul3A = arith.constant 16 : i32
    %mul3A_0 = arith.muli %arg0, %mul3A : i32
    %add3A = arith.addi %mul3A_0, %arg1 : i32
    %mul3A_1 = arith.constant 624 : i32
    %mul3A_2 = arith.muli %arg1, %mul3A_1 : i32
    "tpu.region"() ({
      %run_scoped3A = tpu.sem_alloc : memref<!tpu.dma_semaphore, #tpu.memory_space<semaphore_mem>>
      %dma_start3A_54 = arith.constant 0 : i32
      %dma_start3A_55 = tpu.memref_slice %arg7[%mul3A_2, %dma_start3A_54] : memref<10008x128xf32, #tpu.memory_space<vmem_shared>> -> memref<624x128xf32, #tpu.memory_space<vmem_shared>>
      %dma_start3A_56 = arith.constant 0 : i32
      %dma_start3A_57 = tpu.memref_slice %arg5[%mul3A_2, %dma_start3A_56] : memref<10008x128xf32, #tpu.memory_space<hbm>> -> memref<624x128xf32, #tpu.memory_space<hbm>>
      tpu.enqueue_dma source(%dma_start3A_57 : memref<624x128xf32, #tpu.memory_space<hbm>>) target(%dma_start3A_55 : memref<624x128xf32, #tpu.memory_space<vmem_shared>>) target_semaphore(%run_scoped3A : memref<!tpu.dma_semaphore, #tpu.memory_space<semaphore_mem>>)
      %dma_wait3A_58 = arith.constant 0 : i32
      %dma_wait3A_59 = tpu.memref_slice %arg7[%mul3A_2, %dma_wait3A_58] : memref<10008x128xf32, #tpu.memory_space<vmem_shared>> -> memref<624x128xf32, #tpu.memory_space<vmem_shared>>
      %dma_wait3A_60 = arith.constant 0 : i32
      %dma_wait3A_61 = tpu.memref_slice %arg5[%mul3A_2, %dma_wait3A_60] : memref<10008x128xf32, #tpu.memory_space<hbm>> -> memref<624x128xf32, #tpu.memory_space<hbm>>
      tpu.wait_dma2 semaphore(%run_scoped3A : memref<!tpu.dma_semaphore, #tpu.memory_space<semaphore_mem>>) src(%dma_wait3A_61 : memref<624x128xf32, #tpu.memory_space<hbm>>) dst(%dma_wait3A_59 : memref<624x128xf32, #tpu.memory_space<vmem_shared>>)
      tpu.yield
    }) : () -> ()
    %eq3A = arith.constant 15 : i32
    %eq3A_3 = arith.cmpi eq, %arg1, %eq3A : i32
    %convert_element_type3A = arith.extui %eq3A_3 : i1 to i32
    %cond3A = arith.constant 0 : i32
    %cond3A_4 = arith.cmpi ne, %convert_element_type3A, %cond3A : i32
    scf.if %cond3A_4 {
      "tpu.region"() ({
        %run_scoped3A = tpu.sem_alloc : memref<!tpu.dma_semaphore, #tpu.memory_space<semaphore_mem>>
        %dma_start3A_54 = arith.constant 9984 : i32
        %dma_start3A_55 = arith.constant 0 : i32
        %dma_start3A_56 = tpu.memref_slice %arg7[%dma_start3A_54, %dma_start3A_55] : memref<10008x128xf32, #tpu.memory_space<vmem_shared>> -> memref<24x128xf32, #tpu.memory_space<vmem_shared>>
        %dma_start3A_57 = arith.constant 9984 : i32
        %dma_start3A_58 = arith.constant 0 : i32
        %dma_start3A_59 = tpu.memref_slice %arg5[%dma_start3A_57, %dma_start3A_58] : memref<10008x128xf32, #tpu.memory_space<hbm>> -> memref<24x128xf32, #tpu.memory_space<hbm>>
        tpu.enqueue_dma source(%dma_start3A_59 : memref<24x128xf32, #tpu.memory_space<hbm>>) target(%dma_start3A_56 : memref<24x128xf32, #tpu.memory_space<vmem_shared>>) target_semaphore(%run_scoped3A : memref<!tpu.dma_semaphore, #tpu.memory_space<semaphore_mem>>)
        %dma_wait3A_60 = arith.constant 9984 : i32
        %dma_wait3A_61 = arith.constant 0 : i32
        %dma_wait3A_62 = tpu.memref_slice %arg7[%dma_wait3A_60, %dma_wait3A_61] : memref<10008x128xf32, #tpu.memory_space<vmem_shared>> -> memref<24x128xf32, #tpu.memory_space<vmem_shared>>
        %dma_wait3A_63 = arith.constant 9984 : i32
        %dma_wait3A_64 = arith.constant 0 : i32
        %dma_wait3A_65 = tpu.memref_slice %arg5[%dma_wait3A_63, %dma_wait3A_64] : memref<10008x128xf32, #tpu.memory_space<hbm>> -> memref<24x128xf32, #tpu.memory_space<hbm>>
        tpu.wait_dma2 semaphore(%run_scoped3A : memref<!tpu.dma_semaphore, #tpu.memory_space<semaphore_mem>>) src(%dma_wait3A_65 : memref<24x128xf32, #tpu.memory_space<hbm>>) dst(%dma_wait3A_62 : memref<24x128xf32, #tpu.memory_space<vmem_shared>>)
        tpu.yield
      }) : () -> ()
    } else {
    }
    %barrier3A = arith.constant 0 : index
    tpu.barrier barrier_id(%barrier3A)
    %mul3A_5 = arith.constant 80 : i32
    %mul3A_6 = arith.muli %add3A, %mul3A_5 : i32
    %add3A_7 = arith.constant 0 : i32
    %add3A_8 = arith.addi %mul3A_6, %add3A_7 : i32
    "tpu.region"() ({
      %run_scoped3A = tpu.sem_alloc : memref<!tpu.dma_semaphore, #tpu.memory_space<semaphore_mem>>
      %dma_start3A_54 = arith.constant 0 : i32
      %dma_start3A_55 = tpu.memref_slice %arg2[%add3A_8, %dma_start3A_54] : memref<2560x128xi32, #tpu.memory_space<hbm>> -> memref<40x128xi32, #tpu.memory_space<hbm>>
      %dma_start3A_56 = arith.constant 0 : i32
      %dma_start3A_57 = tpu.memref_slice %arg2[%add3A_8, %dma_start3A_56] : memref<2560x128xi32, #tpu.memory_space<hbm>> -> memref<40x128xi32, #tpu.memory_space<hbm>>
      tpu.enqueue_dma source(%dma_start3A_57 : memref<40x128xi32, #tpu.memory_space<hbm>>) target(%arg8 : memref<40x128xi32, #tpu.memory_space<vmem>>) target_semaphore(%run_scoped3A : memref<!tpu.dma_semaphore, #tpu.memory_space<semaphore_mem>>)
      %dma_wait3A_58 = arith.constant 0 : i32
      %dma_wait3A_59 = tpu.memref_slice %arg2[%add3A_8, %dma_wait3A_58] : memref<2560x128xi32, #tpu.memory_space<hbm>> -> memref<40x128xi32, #tpu.memory_space<hbm>>
      %dma_wait3A_60 = arith.constant 0 : i32
      %dma_wait3A_61 = tpu.memref_slice %arg2[%add3A_8, %dma_wait3A_60] : memref<2560x128xi32, #tpu.memory_space<hbm>> -> memref<40x128xi32, #tpu.memory_space<hbm>>
      tpu.wait_dma2 semaphore(%run_scoped3A : memref<!tpu.dma_semaphore, #tpu.memory_space<semaphore_mem>>) src(%dma_wait3A_61 : memref<40x128xi32, #tpu.memory_space<hbm>>) dst(%arg8 : memref<40x128xi32, #tpu.memory_space<vmem>>)
      tpu.yield
    }) : () -> ()
    "tpu.region"() ({
      %run_scoped3A = tpu.sem_alloc : memref<!tpu.dma_semaphore, #tpu.memory_space<semaphore_mem>>
      %dma_start3A_54 = arith.constant 0 : i32
      %dma_start3A_55 = tpu.memref_slice %arg3[%add3A_8, %dma_start3A_54] : memref<2560x128xi32, #tpu.memory_space<hbm>> -> memref<40x128xi32, #tpu.memory_space<hbm>>
      %dma_start3A_56 = arith.constant 0 : i32
      %dma_start3A_57 = tpu.memref_slice %arg3[%add3A_8, %dma_start3A_56] : memref<2560x128xi32, #tpu.memory_space<hbm>> -> memref<40x128xi32, #tpu.memory_space<hbm>>
      tpu.enqueue_dma source(%dma_start3A_57 : memref<40x128xi32, #tpu.memory_space<hbm>>) target(%arg9 : memref<40x128xi32, #tpu.memory_space<vmem>>) target_semaphore(%run_scoped3A : memref<!tpu.dma_semaphore, #tpu.memory_space<semaphore_mem>>)
      %dma_wait3A_58 = arith.constant 0 : i32
      %dma_wait3A_59 = tpu.memref_slice %arg3[%add3A_8, %dma_wait3A_58] : memref<2560x128xi32, #tpu.memory_space<hbm>> -> memref<40x128xi32, #tpu.memory_space<hbm>>
      %dma_wait3A_60 = arith.constant 0 : i32
      %dma_wait3A_61 = tpu.memref_slice %arg3[%add3A_8, %dma_wait3A_60] : memref<2560x128xi32, #tpu.memory_space<hbm>> -> memref<40x128xi32, #tpu.memory_space<hbm>>
      tpu.wait_dma2 semaphore(%run_scoped3A : memref<!tpu.dma_semaphore, #tpu.memory_space<semaphore_mem>>) src(%dma_wait3A_61 : memref<40x128xi32, #tpu.memory_space<hbm>>) dst(%arg9 : memref<40x128xi32, #tpu.memory_space<vmem>>)
      tpu.yield
    }) : () -> ()
    %dma_start3A = arith.constant 0 : i32
    %dma_start3A_9 = arith.constant 0 : i32
    %dma_start3A_10 = tpu.memref_slice %arg8[%dma_start3A, %dma_start3A_9] : memref<40x128xi32, #tpu.memory_space<vmem>> -> memref<1x128xi32, #tpu.memory_space<vmem>>
    %dma_start3A_11 = tpu.memref_squeeze %dma_start3A_10 : memref<1x128xi32, #tpu.memory_space<vmem>> -> memref<128xi32, #tpu.memory_space<vmem>>
    %dma_start3A_12 = arith.constant 0 : i32
    %dma_start3A_13 = arith.constant 0 : i32
    %dma_start3A_14 = tpu.memref_slice %arg4[%dma_start3A_12, %dma_start3A_13] : memref<10000x128xf32, #tpu.memory_space<hbm>> -> memref<10000x128xf32, #tpu.memory_space<hbm>>
    tpu.enqueue_indirect_dma source(%dma_start3A_14 : memref<10000x128xf32, #tpu.memory_space<hbm>>) target(%arg10 : memref<128x128xf32, #tpu.memory_space<vmem>>) offsets(%dma_start3A_11 : memref<128xi32, #tpu.memory_space<vmem>>) semaphore(%arg12 : memref<!tpu.dma_semaphore, #tpu.memory_space<semaphore_mem>>)
    %scan3A = arith.constant 0 : i32
    %scan3A_15 = arith.constant 0 : i32
    %scan3A_16 = arith.constant 20 : i32
    %scan3A_17 = arith.addi %scan3A_15, %scan3A_16 : i32
    %scan3A_18 = arith.constant 1 : i32
    scf.for %scan3A_54 = %scan3A_15 to %scan3A_17 step %scan3A_18  : i32 {
      %mul3A_55 = arith.constant 2 : i32
      %mul3A_56 = arith.muli %mul3A_55, %scan3A_54 : i32
      %dma_wait3A_57 = arith.constant 0 : i32
      %dma_wait3A_58 = arith.constant 0 : i32
      %dma_wait3A_59 = tpu.memref_slice %arg4[%dma_wait3A_57, %dma_wait3A_58] : memref<10000x128xf32, #tpu.memory_space<hbm>> -> memref<128x128xf32, #tpu.memory_space<hbm>>
      %dma_wait3A_60 = arith.constant 0 : i32
      %dma_wait3A_61 = arith.constant 0 : i32
      %dma_wait3A_62 = tpu.memref_slice %arg4[%dma_wait3A_60, %dma_wait3A_61] : memref<10000x128xf32, #tpu.memory_space<hbm>> -> memref<128x128xf32, #tpu.memory_space<hbm>>
      tpu.wait_dma2 semaphore(%arg12 : memref<!tpu.dma_semaphore, #tpu.memory_space<semaphore_mem>>) src(%dma_wait3A_62 : memref<128x128xf32, #tpu.memory_space<hbm>>) dst(%arg10 : memref<128x128xf32, #tpu.memory_space<vmem>>)
      %dma_start3A_63 = arith.constant 0 : i32
      %dma_start3A_64 = tpu.memref_slice %arg9[%mul3A_56, %dma_start3A_63] : memref<40x128xi32, #tpu.memory_space<vmem>> -> memref<1x128xi32, #tpu.memory_space<vmem>>
      %dma_start3A_65 = tpu.memref_squeeze %dma_start3A_64 : memref<1x128xi32, #tpu.memory_space<vmem>> -> memref<128xi32, #tpu.memory_space<vmem>>
      %dma_start3A_66 = arith.constant 0 : i32
      %dma_start3A_67 = arith.constant 0 : i32
      %dma_start3A_68 = tpu.memref_slice %arg7[%dma_start3A_66, %dma_start3A_67] : memref<10008x128xf32, #tpu.memory_space<vmem_shared>> -> memref<10008x128xf32, #tpu.memory_space<vmem_shared>>
      tpu.enqueue_indirect_dma source(%arg10 : memref<128x128xf32, #tpu.memory_space<vmem>>) target(%dma_start3A_68 : memref<10008x128xf32, #tpu.memory_space<vmem_shared>>) offsets(%dma_start3A_65 : memref<128xi32, #tpu.memory_space<vmem>>) semaphore(%arg13 : memref<!tpu.dma_semaphore, #tpu.memory_space<semaphore_mem>>) {add = true}
      %gt3A = arith.constant 0 : i32
      %gt3A_69 = arith.cmpi sgt, %scan3A_54, %gt3A : i32
      %convert_element_type3A_70 = arith.extui %gt3A_69 : i1 to i32
      %cond3A_71 = arith.constant 0 : i32
      %cond3A_72 = arith.cmpi ne, %convert_element_type3A_70, %cond3A_71 : i32
      scf.if %cond3A_72 {
        %dma_wait3A_107 = arith.constant 0 : i32
        %dma_wait3A_108 = arith.constant 0 : i32
        %dma_wait3A_109 = tpu.memref_slice %arg4[%dma_wait3A_107, %dma_wait3A_108] : memref<10000x128xf32, #tpu.memory_space<hbm>> -> memref<128x128xf32, #tpu.memory_space<hbm>>
        %dma_wait3A_110 = arith.constant 0 : i32
        %dma_wait3A_111 = arith.constant 0 : i32
        %dma_wait3A_112 = tpu.memref_slice %arg4[%dma_wait3A_110, %dma_wait3A_111] : memref<10000x128xf32, #tpu.memory_space<hbm>> -> memref<128x128xf32, #tpu.memory_space<hbm>>
        tpu.wait_dma2 semaphore(%arg14 : memref<!tpu.dma_semaphore, #tpu.memory_space<semaphore_mem>>) src(%dma_wait3A_112 : memref<128x128xf32, #tpu.memory_space<hbm>>) dst(%arg11 : memref<128x128xf32, #tpu.memory_space<vmem>>)
      } else {
      }
      %add3A_73 = arith.constant 1 : i32
      %add3A_74 = arith.addi %mul3A_56, %add3A_73 : i32
      %dma_start3A_75 = arith.constant 0 : i32
      %dma_start3A_76 = tpu.memref_slice %arg8[%add3A_74, %dma_start3A_75] : memref<40x128xi32, #tpu.memory_space<vmem>> -> memref<1x128xi32, #tpu.memory_space<vmem>>
      %dma_start3A_77 = tpu.memref_squeeze %dma_start3A_76 : memref<1x128xi32, #tpu.memory_space<vmem>> -> memref<128xi32, #tpu.memory_space<vmem>>
      %dma_start3A_78 = arith.constant 0 : i32
      %dma_start3A_79 = arith.constant 0 : i32
      %dma_start3A_80 = tpu.memref_slice %arg4[%dma_start3A_78, %dma_start3A_79] : memref<10000x128xf32, #tpu.memory_space<hbm>> -> memref<10000x128xf32, #tpu.memory_space<hbm>>
      tpu.enqueue_indirect_dma source(%dma_start3A_80 : memref<10000x128xf32, #tpu.memory_space<hbm>>) target(%arg11 : memref<128x128xf32, #tpu.memory_space<vmem>>) offsets(%dma_start3A_77 : memref<128xi32, #tpu.memory_space<vmem>>) semaphore(%arg12 : memref<!tpu.dma_semaphore, #tpu.memory_space<semaphore_mem>>)
      %dma_wait3A_81 = arith.constant 0 : i32
      %dma_wait3A_82 = arith.constant 0 : i32
      %dma_wait3A_83 = tpu.memref_slice %arg4[%dma_wait3A_81, %dma_wait3A_82] : memref<10000x128xf32, #tpu.memory_space<hbm>> -> memref<128x128xf32, #tpu.memory_space<hbm>>
      %dma_wait3A_84 = arith.constant 0 : i32
      %dma_wait3A_85 = arith.constant 0 : i32
      %dma_wait3A_86 = tpu.memref_slice %arg4[%dma_wait3A_84, %dma_wait3A_85] : memref<10000x128xf32, #tpu.memory_space<hbm>> -> memref<128x128xf32, #tpu.memory_space<hbm>>
      tpu.wait_dma2 semaphore(%arg12 : memref<!tpu.dma_semaphore, #tpu.memory_space<semaphore_mem>>) src(%dma_wait3A_86 : memref<128x128xf32, #tpu.memory_space<hbm>>) dst(%arg11 : memref<128x128xf32, #tpu.memory_space<vmem>>)
      %add3A_87 = arith.constant 1 : i32
      %add3A_88 = arith.addi %mul3A_56, %add3A_87 : i32
      %dma_start3A_89 = arith.constant 0 : i32
      %dma_start3A_90 = tpu.memref_slice %arg9[%add3A_88, %dma_start3A_89] : memref<40x128xi32, #tpu.memory_space<vmem>> -> memref<1x128xi32, #tpu.memory_space<vmem>>
      %dma_start3A_91 = tpu.memref_squeeze %dma_start3A_90 : memref<1x128xi32, #tpu.memory_space<vmem>> -> memref<128xi32, #tpu.memory_space<vmem>>
      %dma_start3A_92 = arith.constant 0 : i32
      %dma_start3A_93 = arith.constant 0 : i32
      %dma_start3A_94 = tpu.memref_slice %arg7[%dma_start3A_92, %dma_start3A_93] : memref<10008x128xf32, #tpu.memory_space<vmem_shared>> -> memref<10008x128xf32, #tpu.memory_space<vmem_shared>>
      tpu.enqueue_indirect_dma source(%arg11 : memref<128x128xf32, #tpu.memory_space<vmem>>) target(%dma_start3A_94 : memref<10008x128xf32, #tpu.memory_space<vmem_shared>>) offsets(%dma_start3A_91 : memref<128xi32, #tpu.memory_space<vmem>>) semaphore(%arg14 : memref<!tpu.dma_semaphore, #tpu.memory_space<semaphore_mem>>) {add = true}
      %dma_wait3A_95 = arith.constant 0 : i32
      %dma_wait3A_96 = arith.constant 0 : i32
      %dma_wait3A_97 = tpu.memref_slice %arg4[%dma_wait3A_95, %dma_wait3A_96] : memref<10000x128xf32, #tpu.memory_space<hbm>> -> memref<128x128xf32, #tpu.memory_space<hbm>>
      %dma_wait3A_98 = arith.constant 0 : i32
      %dma_wait3A_99 = arith.constant 0 : i32
      %dma_wait3A_100 = tpu.memref_slice %arg4[%dma_wait3A_98, %dma_wait3A_99] : memref<10000x128xf32, #tpu.memory_space<hbm>> -> memref<128x128xf32, #tpu.memory_space<hbm>>
      tpu.wait_dma2 semaphore(%arg13 : memref<!tpu.dma_semaphore, #tpu.memory_space<semaphore_mem>>) src(%dma_wait3A_100 : memref<128x128xf32, #tpu.memory_space<hbm>>) dst(%arg10 : memref<128x128xf32, #tpu.memory_space<vmem>>)
      %add3A_101 = arith.constant 1 : i32
      %add3A_102 = arith.addi %scan3A_54, %add3A_101 : i32
      %lt3A = arith.constant 20 : i32
      %lt3A_103 = arith.cmpi slt, %add3A_102, %lt3A : i32
      %convert_element_type3A_104 = arith.extui %lt3A_103 : i1 to i32
      %cond3A_105 = arith.constant 0 : i32
      %cond3A_106 = arith.cmpi ne, %convert_element_type3A_104, %cond3A_105 : i32
      scf.if %cond3A_106 {
        %add3A_107 = arith.constant 2 : i32
        %add3A_108 = arith.addi %mul3A_56, %add3A_107 : i32
        %dma_start3A_109 = arith.constant 0 : i32
        %dma_start3A_110 = tpu.memref_slice %arg8[%add3A_108, %dma_start3A_109] : memref<40x128xi32, #tpu.memory_space<vmem>> -> memref<1x128xi32, #tpu.memory_space<vmem>>
        %dma_start3A_111 = tpu.memref_squeeze %dma_start3A_110 : memref<1x128xi32, #tpu.memory_space<vmem>> -> memref<128xi32, #tpu.memory_space<vmem>>
        %dma_start3A_112 = arith.constant 0 : i32
        %dma_start3A_113 = arith.constant 0 : i32
        %dma_start3A_114 = tpu.memref_slice %arg4[%dma_start3A_112, %dma_start3A_113] : memref<10000x128xf32, #tpu.memory_space<hbm>> -> memref<10000x128xf32, #tpu.memory_space<hbm>>
        tpu.enqueue_indirect_dma source(%dma_start3A_114 : memref<10000x128xf32, #tpu.memory_space<hbm>>) target(%arg10 : memref<128x128xf32, #tpu.memory_space<vmem>>) offsets(%dma_start3A_111 : memref<128xi32, #tpu.memory_space<vmem>>) semaphore(%arg12 : memref<!tpu.dma_semaphore, #tpu.memory_space<semaphore_mem>>)
      } else {
      }
    }
    %scan3A_19 = arith.constant 20 : i32
    %dma_wait3A = arith.constant 0 : i32
    %dma_wait3A_20 = arith.constant 0 : i32
    %dma_wait3A_21 = tpu.memref_slice %arg4[%dma_wait3A, %dma_wait3A_20] : memref<10000x128xf32, #tpu.memory_space<hbm>> -> memref<128x128xf32, #tpu.memory_space<hbm>>
    %dma_wait3A_22 = arith.constant 0 : i32
    %dma_wait3A_23 = arith.constant 0 : i32
    %dma_wait3A_24 = tpu.memref_slice %arg4[%dma_wait3A_22, %dma_wait3A_23] : memref<10000x128xf32, #tpu.memory_space<hbm>> -> memref<128x128xf32, #tpu.memory_space<hbm>>
    tpu.wait_dma2 semaphore(%arg14 : memref<!tpu.dma_semaphore, #tpu.memory_space<semaphore_mem>>) src(%dma_wait3A_24 : memref<128x128xf32, #tpu.memory_space<hbm>>) dst(%arg11 : memref<128x128xf32, #tpu.memory_space<vmem>>)
    %mul3A_25 = arith.constant 80 : i32
    %mul3A_26 = arith.muli %add3A, %mul3A_25 : i32
    %add3A_27 = arith.constant 40 : i32
    %add3A_28 = arith.addi %mul3A_26, %add3A_27 : i32
    "tpu.region"() ({
      %run_scoped3A = tpu.sem_alloc : memref<!tpu.dma_semaphore, #tpu.memory_space<semaphore_mem>>
      %dma_start3A_54 = arith.constant 0 : i32
      %dma_start3A_55 = tpu.memref_slice %arg2[%add3A_28, %dma_start3A_54] : memref<2560x128xi32, #tpu.memory_space<hbm>> -> memref<40x128xi32, #tpu.memory_space<hbm>>
      %dma_start3A_56 = arith.constant 0 : i32
      %dma_start3A_57 = tpu.memref_slice %arg2[%add3A_28, %dma_start3A_56] : memref<2560x128xi32, #tpu.memory_space<hbm>> -> memref<40x128xi32, #tpu.memory_space<hbm>>
      tpu.enqueue_dma source(%dma_start3A_57 : memref<40x128xi32, #tpu.memory_space<hbm>>) target(%arg8 : memref<40x128xi32, #tpu.memory_space<vmem>>) target_semaphore(%run_scoped3A : memref<!tpu.dma_semaphore, #tpu.memory_space<semaphore_mem>>)
      %dma_wait3A_58 = arith.constant 0 : i32
      %dma_wait3A_59 = tpu.memref_slice %arg2[%add3A_28, %dma_wait3A_58] : memref<2560x128xi32, #tpu.memory_space<hbm>> -> memref<40x128xi32, #tpu.memory_space<hbm>>
      %dma_wait3A_60 = arith.constant 0 : i32
      %dma_wait3A_61 = tpu.memref_slice %arg2[%add3A_28, %dma_wait3A_60] : memref<2560x128xi32, #tpu.memory_space<hbm>> -> memref<40x128xi32, #tpu.memory_space<hbm>>
      tpu.wait_dma2 semaphore(%run_scoped3A : memref<!tpu.dma_semaphore, #tpu.memory_space<semaphore_mem>>) src(%dma_wait3A_61 : memref<40x128xi32, #tpu.memory_space<hbm>>) dst(%arg8 : memref<40x128xi32, #tpu.memory_space<vmem>>)
      tpu.yield
    }) : () -> ()
    "tpu.region"() ({
      %run_scoped3A = tpu.sem_alloc : memref<!tpu.dma_semaphore, #tpu.memory_space<semaphore_mem>>
      %dma_start3A_54 = arith.constant 0 : i32
      %dma_start3A_55 = tpu.memref_slice %arg3[%add3A_28, %dma_start3A_54] : memref<2560x128xi32, #tpu.memory_space<hbm>> -> memref<40x128xi32, #tpu.memory_space<hbm>>
      %dma_start3A_56 = arith.constant 0 : i32
      %dma_start3A_57 = tpu.memref_slice %arg3[%add3A_28, %dma_start3A_56] : memref<2560x128xi32, #tpu.memory_space<hbm>> -> memref<40x128xi32, #tpu.memory_space<hbm>>
      tpu.enqueue_dma source(%dma_start3A_57 : memref<40x128xi32, #tpu.memory_space<hbm>>) target(%arg9 : memref<40x128xi32, #tpu.memory_space<vmem>>) target_semaphore(%run_scoped3A : memref<!tpu.dma_semaphore, #tpu.memory_space<semaphore_mem>>)
      %dma_wait3A_58 = arith.constant 0 : i32
      %dma_wait3A_59 = tpu.memref_slice %arg3[%add3A_28, %dma_wait3A_58] : memref<2560x128xi32, #tpu.memory_space<hbm>> -> memref<40x128xi32, #tpu.memory_space<hbm>>
      %dma_wait3A_60 = arith.constant 0 : i32
      %dma_wait3A_61 = tpu.memref_slice %arg3[%add3A_28, %dma_wait3A_60] : memref<2560x128xi32, #tpu.memory_space<hbm>> -> memref<40x128xi32, #tpu.memory_space<hbm>>
      tpu.wait_dma2 semaphore(%run_scoped3A : memref<!tpu.dma_semaphore, #tpu.memory_space<semaphore_mem>>) src(%dma_wait3A_61 : memref<40x128xi32, #tpu.memory_space<hbm>>) dst(%arg9 : memref<40x128xi32, #tpu.memory_space<vmem>>)
      tpu.yield
    }) : () -> ()
    %dma_start3A_29 = arith.constant 0 : i32
    %dma_start3A_30 = arith.constant 0 : i32
    %dma_start3A_31 = tpu.memref_slice %arg8[%dma_start3A_29, %dma_start3A_30] : memref<40x128xi32, #tpu.memory_space<vmem>> -> memref<1x128xi32, #tpu.memory_space<vmem>>
    %dma_start3A_32 = tpu.memref_squeeze %dma_start3A_31 : memref<1x128xi32, #tpu.memory_space<vmem>> -> memref<128xi32, #tpu.memory_space<vmem>>
    %dma_start3A_33 = arith.constant 0 : i32
    %dma_start3A_34 = arith.constant 0 : i32
    %dma_start3A_35 = tpu.memref_slice %arg4[%dma_start3A_33, %dma_start3A_34] : memref<10000x128xf32, #tpu.memory_space<hbm>> -> memref<10000x128xf32, #tpu.memory_space<hbm>>
    tpu.enqueue_indirect_dma source(%dma_start3A_35 : memref<10000x128xf32, #tpu.memory_space<hbm>>) target(%arg10 : memref<128x128xf32, #tpu.memory_space<vmem>>) offsets(%dma_start3A_32 : memref<128xi32, #tpu.memory_space<vmem>>) semaphore(%arg12 : memref<!tpu.dma_semaphore, #tpu.memory_space<semaphore_mem>>)
    %scan3A_36 = arith.constant 0 : i32
    %scan3A_37 = arith.constant 0 : i32
    %scan3A_38 = arith.constant 20 : i32
    %scan3A_39 = arith.addi %scan3A_37, %scan3A_38 : i32
    %scan3A_40 = arith.constant 1 : i32
    scf.for %scan3A_54 = %scan3A_37 to %scan3A_39 step %scan3A_40  : i32 {
      %mul3A_55 = arith.constant 2 : i32
      %mul3A_56 = arith.muli %mul3A_55, %scan3A_54 : i32
      %dma_wait3A_57 = arith.constant 0 : i32
      %dma_wait3A_58 = arith.constant 0 : i32
      %dma_wait3A_59 = tpu.memref_slice %arg4[%dma_wait3A_57, %dma_wait3A_58] : memref<10000x128xf32, #tpu.memory_space<hbm>> -> memref<128x128xf32, #tpu.memory_space<hbm>>
      %dma_wait3A_60 = arith.constant 0 : i32
      %dma_wait3A_61 = arith.constant 0 : i32
      %dma_wait3A_62 = tpu.memref_slice %arg4[%dma_wait3A_60, %dma_wait3A_61] : memref<10000x128xf32, #tpu.memory_space<hbm>> -> memref<128x128xf32, #tpu.memory_space<hbm>>
      tpu.wait_dma2 semaphore(%arg12 : memref<!tpu.dma_semaphore, #tpu.memory_space<semaphore_mem>>) src(%dma_wait3A_62 : memref<128x128xf32, #tpu.memory_space<hbm>>) dst(%arg10 : memref<128x128xf32, #tpu.memory_space<vmem>>)
      %dma_start3A_63 = arith.constant 0 : i32
      %dma_start3A_64 = tpu.memref_slice %arg9[%mul3A_56, %dma_start3A_63] : memref<40x128xi32, #tpu.memory_space<vmem>> -> memref<1x128xi32, #tpu.memory_space<vmem>>
      %dma_start3A_65 = tpu.memref_squeeze %dma_start3A_64 : memref<1x128xi32, #tpu.memory_space<vmem>> -> memref<128xi32, #tpu.memory_space<vmem>>
      %dma_start3A_66 = arith.constant 0 : i32
      %dma_start3A_67 = arith.constant 0 : i32
      %dma_start3A_68 = tpu.memref_slice %arg7[%dma_start3A_66, %dma_start3A_67] : memref<10008x128xf32, #tpu.memory_space<vmem_shared>> -> memref<10008x128xf32, #tpu.memory_space<vmem_shared>>
      tpu.enqueue_indirect_dma source(%arg10 : memref<128x128xf32, #tpu.memory_space<vmem>>) target(%dma_start3A_68 : memref<10008x128xf32, #tpu.memory_space<vmem_shared>>) offsets(%dma_start3A_65 : memref<128xi32, #tpu.memory_space<vmem>>) semaphore(%arg13 : memref<!tpu.dma_semaphore, #tpu.memory_space<semaphore_mem>>) {add = true}
      %gt3A = arith.constant 0 : i32
      %gt3A_69 = arith.cmpi sgt, %scan3A_54, %gt3A : i32
      %convert_element_type3A_70 = arith.extui %gt3A_69 : i1 to i32
      %cond3A_71 = arith.constant 0 : i32
      %cond3A_72 = arith.cmpi ne, %convert_element_type3A_70, %cond3A_71 : i32
      scf.if %cond3A_72 {
        %dma_wait3A_107 = arith.constant 0 : i32
        %dma_wait3A_108 = arith.constant 0 : i32
        %dma_wait3A_109 = tpu.memref_slice %arg4[%dma_wait3A_107, %dma_wait3A_108] : memref<10000x128xf32, #tpu.memory_space<hbm>> -> memref<128x128xf32, #tpu.memory_space<hbm>>
        %dma_wait3A_110 = arith.constant 0 : i32
        %dma_wait3A_111 = arith.constant 0 : i32
        %dma_wait3A_112 = tpu.memref_slice %arg4[%dma_wait3A_110, %dma_wait3A_111] : memref<10000x128xf32, #tpu.memory_space<hbm>> -> memref<128x128xf32, #tpu.memory_space<hbm>>
        tpu.wait_dma2 semaphore(%arg14 : memref<!tpu.dma_semaphore, #tpu.memory_space<semaphore_mem>>) src(%dma_wait3A_112 : memref<128x128xf32, #tpu.memory_space<hbm>>) dst(%arg11 : memref<128x128xf32, #tpu.memory_space<vmem>>)
      } else {
      }
      %add3A_73 = arith.constant 1 : i32
      %add3A_74 = arith.addi %mul3A_56, %add3A_73 : i32
      %dma_start3A_75 = arith.constant 0 : i32
      %dma_start3A_76 = tpu.memref_slice %arg8[%add3A_74, %dma_start3A_75] : memref<40x128xi32, #tpu.memory_space<vmem>> -> memref<1x128xi32, #tpu.memory_space<vmem>>
      %dma_start3A_77 = tpu.memref_squeeze %dma_start3A_76 : memref<1x128xi32, #tpu.memory_space<vmem>> -> memref<128xi32, #tpu.memory_space<vmem>>
      %dma_start3A_78 = arith.constant 0 : i32
      %dma_start3A_79 = arith.constant 0 : i32
      %dma_start3A_80 = tpu.memref_slice %arg4[%dma_start3A_78, %dma_start3A_79] : memref<10000x128xf32, #tpu.memory_space<hbm>> -> memref<10000x128xf32, #tpu.memory_space<hbm>>
      tpu.enqueue_indirect_dma source(%dma_start3A_80 : memref<10000x128xf32, #tpu.memory_space<hbm>>) target(%arg11 : memref<128x128xf32, #tpu.memory_space<vmem>>) offsets(%dma_start3A_77 : memref<128xi32, #tpu.memory_space<vmem>>) semaphore(%arg12 : memref<!tpu.dma_semaphore, #tpu.memory_space<semaphore_mem>>)
      %dma_wait3A_81 = arith.constant 0 : i32
      %dma_wait3A_82 = arith.constant 0 : i32
      %dma_wait3A_83 = tpu.memref_slice %arg4[%dma_wait3A_81, %dma_wait3A_82] : memref<10000x128xf32, #tpu.memory_space<hbm>> -> memref<128x128xf32, #tpu.memory_space<hbm>>
      %dma_wait3A_84 = arith.constant 0 : i32
      %dma_wait3A_85 = arith.constant 0 : i32
      %dma_wait3A_86 = tpu.memref_slice %arg4[%dma_wait3A_84, %dma_wait3A_85] : memref<10000x128xf32, #tpu.memory_space<hbm>> -> memref<128x128xf32, #tpu.memory_space<hbm>>
      tpu.wait_dma2 semaphore(%arg12 : memref<!tpu.dma_semaphore, #tpu.memory_space<semaphore_mem>>) src(%dma_wait3A_86 : memref<128x128xf32, #tpu.memory_space<hbm>>) dst(%arg11 : memref<128x128xf32, #tpu.memory_space<vmem>>)
      %add3A_87 = arith.constant 1 : i32
      %add3A_88 = arith.addi %mul3A_56, %add3A_87 : i32
      %dma_start3A_89 = arith.constant 0 : i32
      %dma_start3A_90 = tpu.memref_slice %arg9[%add3A_88, %dma_start3A_89] : memref<40x128xi32, #tpu.memory_space<vmem>> -> memref<1x128xi32, #tpu.memory_space<vmem>>
      %dma_start3A_91 = tpu.memref_squeeze %dma_start3A_90 : memref<1x128xi32, #tpu.memory_space<vmem>> -> memref<128xi32, #tpu.memory_space<vmem>>
      %dma_start3A_92 = arith.constant 0 : i32
      %dma_start3A_93 = arith.constant 0 : i32
      %dma_start3A_94 = tpu.memref_slice %arg7[%dma_start3A_92, %dma_start3A_93] : memref<10008x128xf32, #tpu.memory_space<vmem_shared>> -> memref<10008x128xf32, #tpu.memory_space<vmem_shared>>
      tpu.enqueue_indirect_dma source(%arg11 : memref<128x128xf32, #tpu.memory_space<vmem>>) target(%dma_start3A_94 : memref<10008x128xf32, #tpu.memory_space<vmem_shared>>) offsets(%dma_start3A_91 : memref<128xi32, #tpu.memory_space<vmem>>) semaphore(%arg14 : memref<!tpu.dma_semaphore, #tpu.memory_space<semaphore_mem>>) {add = true}
      %dma_wait3A_95 = arith.constant 0 : i32
      %dma_wait3A_96 = arith.constant 0 : i32
      %dma_wait3A_97 = tpu.memref_slice %arg4[%dma_wait3A_95, %dma_wait3A_96] : memref<10000x128xf32, #tpu.memory_space<hbm>> -> memref<128x128xf32, #tpu.memory_space<hbm>>
      %dma_wait3A_98 = arith.constant 0 : i32
      %dma_wait3A_99 = arith.constant 0 : i32
      %dma_wait3A_100 = tpu.memref_slice %arg4[%dma_wait3A_98, %dma_wait3A_99] : memref<10000x128xf32, #tpu.memory_space<hbm>> -> memref<128x128xf32, #tpu.memory_space<hbm>>
      tpu.wait_dma2 semaphore(%arg13 : memref<!tpu.dma_semaphore, #tpu.memory_space<semaphore_mem>>) src(%dma_wait3A_100 : memref<128x128xf32, #tpu.memory_space<hbm>>) dst(%arg10 : memref<128x128xf32, #tpu.memory_space<vmem>>)
      %add3A_101 = arith.constant 1 : i32
      %add3A_102 = arith.addi %scan3A_54, %add3A_101 : i32
      %lt3A = arith.constant 20 : i32
      %lt3A_103 = arith.cmpi slt, %add3A_102, %lt3A : i32
      %convert_element_type3A_104 = arith.extui %lt3A_103 : i1 to i32
      %cond3A_105 = arith.constant 0 : i32
      %cond3A_106 = arith.cmpi ne, %convert_element_type3A_104, %cond3A_105 : i32
      scf.if %cond3A_106 {
        %add3A_107 = arith.constant 2 : i32
        %add3A_108 = arith.addi %mul3A_56, %add3A_107 : i32
        %dma_start3A_109 = arith.constant 0 : i32
        %dma_start3A_110 = tpu.memref_slice %arg8[%add3A_108, %dma_start3A_109] : memref<40x128xi32, #tpu.memory_space<vmem>> -> memref<1x128xi32, #tpu.memory_space<vmem>>
        %dma_start3A_111 = tpu.memref_squeeze %dma_start3A_110 : memref<1x128xi32, #tpu.memory_space<vmem>> -> memref<128xi32, #tpu.memory_space<vmem>>
        %dma_start3A_112 = arith.constant 0 : i32
        %dma_start3A_113 = arith.constant 0 : i32
        %dma_start3A_114 = tpu.memref_slice %arg4[%dma_start3A_112, %dma_start3A_113] : memref<10000x128xf32, #tpu.memory_space<hbm>> -> memref<10000x128xf32, #tpu.memory_space<hbm>>
        tpu.enqueue_indirect_dma source(%dma_start3A_114 : memref<10000x128xf32, #tpu.memory_space<hbm>>) target(%arg10 : memref<128x128xf32, #tpu.memory_space<vmem>>) offsets(%dma_start3A_111 : memref<128xi32, #tpu.memory_space<vmem>>) semaphore(%arg12 : memref<!tpu.dma_semaphore, #tpu.memory_space<semaphore_mem>>)
      } else {
      }
    }
    %scan3A_41 = arith.constant 20 : i32
    %dma_wait3A_42 = arith.constant 0 : i32
    %dma_wait3A_43 = arith.constant 0 : i32
    %dma_wait3A_44 = tpu.memref_slice %arg4[%dma_wait3A_42, %dma_wait3A_43] : memref<10000x128xf32, #tpu.memory_space<hbm>> -> memref<128x128xf32, #tpu.memory_space<hbm>>
    %dma_wait3A_45 = arith.constant 0 : i32
    %dma_wait3A_46 = arith.constant 0 : i32
    %dma_wait3A_47 = tpu.memref_slice %arg4[%dma_wait3A_45, %dma_wait3A_46] : memref<10000x128xf32, #tpu.memory_space<hbm>> -> memref<128x128xf32, #tpu.memory_space<hbm>>
    tpu.wait_dma2 semaphore(%arg14 : memref<!tpu.dma_semaphore, #tpu.memory_space<semaphore_mem>>) src(%dma_wait3A_47 : memref<128x128xf32, #tpu.memory_space<hbm>>) dst(%arg11 : memref<128x128xf32, #tpu.memory_space<vmem>>)
    %barrier3A_48 = arith.constant 0 : index
    tpu.barrier barrier_id(%barrier3A_48)
    "tpu.region"() ({
      %run_scoped3A = tpu.sem_alloc : memref<!tpu.dma_semaphore, #tpu.memory_space<semaphore_mem>>
      %dma_start3A_54 = arith.constant 0 : i32
      %dma_start3A_55 = tpu.memref_slice %arg6[%arg0, %mul3A_2, %dma_start3A_54] : memref<2x10000x128xf32, #tpu.memory_space<hbm>> -> memref<1x624x128xf32, #tpu.memory_space<hbm>>
      %dma_start3A_56 = tpu.memref_squeeze %dma_start3A_55 : memref<1x624x128xf32, #tpu.memory_space<hbm>> -> memref<624x128xf32, #tpu.memory_space<hbm>>
      %dma_start3A_57 = arith.constant 0 : i32
      %dma_start3A_58 = tpu.memref_slice %arg7[%mul3A_2, %dma_start3A_57] : memref<10008x128xf32, #tpu.memory_space<vmem_shared>> -> memref<624x128xf32, #tpu.memory_space<vmem_shared>>
      tpu.enqueue_dma source(%dma_start3A_58 : memref<624x128xf32, #tpu.memory_space<vmem_shared>>) target(%dma_start3A_56 : memref<624x128xf32, #tpu.memory_space<hbm>>) target_semaphore(%run_scoped3A : memref<!tpu.dma_semaphore, #tpu.memory_space<semaphore_mem>>)
      %dma_wait3A_59 = arith.constant 0 : i32
      %dma_wait3A_60 = tpu.memref_slice %arg6[%arg0, %mul3A_2, %dma_wait3A_59] : memref<2x10000x128xf32, #tpu.memory_space<hbm>> -> memref<1x624x128xf32, #tpu.memory_space<hbm>>
      %dma_wait3A_61 = tpu.memref_squeeze %dma_wait3A_60 : memref<1x624x128xf32, #tpu.memory_space<hbm>> -> memref<624x128xf32, #tpu.memory_space<hbm>>
      %dma_wait3A_62 = arith.constant 0 : i32
      %dma_wait3A_63 = tpu.memref_slice %arg7[%mul3A_2, %dma_wait3A_62] : memref<10008x128xf32, #tpu.memory_space<vmem_shared>> -> memref<624x128xf32, #tpu.memory_space<vmem_shared>>
      tpu.wait_dma2 semaphore(%run_scoped3A : memref<!tpu.dma_semaphore, #tpu.memory_space<semaphore_mem>>) src(%dma_wait3A_63 : memref<624x128xf32, #tpu.memory_space<vmem_shared>>) dst(%dma_wait3A_61 : memref<624x128xf32, #tpu.memory_space<hbm>>)
      tpu.yield
    }) : () -> ()
    %eq3A_49 = arith.constant 15 : i32
    %eq3A_50 = arith.cmpi eq, %arg1, %eq3A_49 : i32
    %convert_element_type3A_51 = arith.extui %eq3A_50 : i1 to i32
    %cond3A_52 = arith.constant 0 : i32
    %cond3A_53 = arith.cmpi ne, %convert_element_type3A_51, %cond3A_52 : i32
    scf.if %cond3A_53 {
      "tpu.region"() ({
        %run_scoped3A = tpu.sem_alloc : memref<!tpu.dma_semaphore, #tpu.memory_space<semaphore_mem>>
        %dma_start3A_54 = arith.constant 9984 : i32
        %dma_start3A_55 = arith.constant 0 : i32
        %dma_start3A_56 = tpu.memref_slice %arg6[%arg0, %dma_start3A_54, %dma_start3A_55] : memref<2x10000x128xf32, #tpu.memory_space<hbm>> -> memref<1x16x128xf32, #tpu.memory_space<hbm>>
        %dma_start3A_57 = tpu.memref_squeeze %dma_start3A_56 : memref<1x16x128xf32, #tpu.memory_space<hbm>> -> memref<16x128xf32, #tpu.memory_space<hbm>>
        %dma_start3A_58 = arith.constant 9984 : i32
        %dma_start3A_59 = arith.constant 0 : i32
        %dma_start3A_60 = tpu.memref_slice %arg7[%dma_start3A_58, %dma_start3A_59] : memref<10008x128xf32, #tpu.memory_space<vmem_shared>> -> memref<16x128xf32, #tpu.memory_space<vmem_shared>>
        tpu.enqueue_dma source(%dma_start3A_60 : memref<16x128xf32, #tpu.memory_space<vmem_shared>>) target(%dma_start3A_57 : memref<16x128xf32, #tpu.memory_space<hbm>>) target_semaphore(%run_scoped3A : memref<!tpu.dma_semaphore, #tpu.memory_space<semaphore_mem>>)
        %dma_wait3A_61 = arith.constant 9984 : i32
        %dma_wait3A_62 = arith.constant 0 : i32
        %dma_wait3A_63 = tpu.memref_slice %arg6[%arg0, %dma_wait3A_61, %dma_wait3A_62] : memref<2x10000x128xf32, #tpu.memory_space<hbm>> -> memref<1x16x128xf32, #tpu.memory_space<hbm>>
        %dma_wait3A_64 = tpu.memref_squeeze %dma_wait3A_63 : memref<1x16x128xf32, #tpu.memory_space<hbm>> -> memref<16x128xf32, #tpu.memory_space<hbm>>
        %dma_wait3A_65 = arith.constant 9984 : i32
        %dma_wait3A_66 = arith.constant 0 : i32
        %dma_wait3A_67 = tpu.memref_slice %arg7[%dma_wait3A_65, %dma_wait3A_66] : memref<10008x128xf32, #tpu.memory_space<vmem_shared>> -> memref<16x128xf32, #tpu.memory_space<vmem_shared>>
        tpu.wait_dma2 semaphore(%run_scoped3A : memref<!tpu.dma_semaphore, #tpu.memory_space<semaphore_mem>>) src(%dma_wait3A_67 : memref<16x128xf32, #tpu.memory_space<vmem_shared>>) dst(%dma_wait3A_64 : memref<16x128xf32, #tpu.memory_space<hbm>>)
        tpu.yield
      }) : () -> ()
    } else {
    }
    return
  }
}

module attributes {stable_mosaic.version = 14 : i64} {
  func.func @_scale_mm_body(%arg0: i32, %arg1: memref<1x32x1000xf32, #tpu.memory_space<vmem>>, %arg2: memref<1000x128xf32, #tpu.memory_space<vmem>>, %arg3: memref<128x128xf32, #tpu.memory_space<vmem>>, %arg4: memref<1000x128xf32, #tpu.memory_space<vmem>>) attributes {dimension_semantics = [#tpu.dimension_semantics<arbitrary>], iteration_bounds = array<i64: 10>, scalar_prefetch = 0 : i64, scratch_operands = 0 : i64, tpu.core_type = #tpu.core_type<tc>, window_params = [{transform_indices = @transform_0, window_bounds = array<i64: 1, 32, 1000>}, {transform_indices = @transform_1, window_bounds = array<i64: 1000, 128>}, {pipeline_mode = #tpu.pipeline_mode<synchronous>, transform_indices = @transform_2, window_bounds = array<i64: 128, 128>}, {transform_indices = @transform_3, window_bounds = array<i64: 1000, 128>}]} {
    %get3A = arith.constant 0 : index
    %get3A_0 = arith.constant 0 : index
    %get3A_1 = arith.constant 0 : index
    %get3A_2 = vector.load %arg1[%get3A, %get3A_0, %get3A_1] : memref<1x32x1000xf32, #tpu.memory_space<vmem>>, vector<1x32x1000xf32>
    %get3A_3 = vector.shape_cast %get3A_2 : vector<1x32x1000xf32> to vector<32x1000xf32>
    %reduce_sum3A = arith.constant dense<0.000000e+00> : vector<1000xf32>
    %reduce_sum3A_4 = vector.multi_reduction <add>, %get3A_3, %reduce_sum3A [0] : vector<32x1000xf32> to vector<1000xf32>
    %add3A = arith.constant 1.000000e+00 : f32
    %add3A_5 = vector.broadcast %add3A : f32 to vector<1000xf32>
    %add3A_6 = arith.addf %reduce_sum3A_4, %add3A_5 : vector<1000xf32>
    %rsqrt3A = math.rsqrt %add3A_6 : vector<1000xf32>
    %get3A_7 = arith.constant 0 : index
    %get3A_8 = arith.constant 0 : index
    %get3A_9 = vector.load %arg2[%get3A_7, %get3A_8] : memref<1000x128xf32, #tpu.memory_space<vmem>>, vector<1000x128xf32>
    %get3A_10 = arith.constant 0 : index
    %get3A_11 = arith.constant 0 : index
    %get3A_12 = vector.load %arg3[%get3A_10, %get3A_11] : memref<128x128xf32, #tpu.memory_space<vmem>>, vector<128x128xf32>
    %dot_general3A = arith.constant dense<0.000000e+00> : vector<1000x128xf32>
    %dot_general3A_13 = tpu.matmul %get3A_9, %get3A_12, %dot_general3A {dimension_numbers = #tpu.dot_dimension_numbers<[1], [0], [0], [1], [0, 0, 1, 1], [], []>, transpose_lhs_hint = false} : vector<1000x128xf32>, vector<128x128xf32>, vector<1000x128xf32> -> vector<1000x128xf32>
    %broadcast_in_dim3A = vector.shape_cast %rsqrt3A : vector<1000xf32> to vector<1000x1xf32>
    %mul3A = vector.broadcast %broadcast_in_dim3A : vector<1000x1xf32> to vector<1000x128xf32>
    %mul3A_14 = arith.mulf %dot_general3A_13, %mul3A : vector<1000x128xf32>
    %swap3A = arith.constant 0 : index
    %swap3A_15 = arith.constant 0 : index
    %swap3A_16 = vector.load %arg4[%swap3A, %swap3A_15] : memref<1000x128xf32, #tpu.memory_space<vmem>>, vector<1000x128xf32>
    tpu.vector_store %arg4[%swap3A, %swap3A_15], %mul3A_14 {strides = array<i32>} : memref<1000x128xf32, #tpu.memory_space<vmem>>, vector<1000x128xf32>,
    return
  }
  func.func @transform_0(%arg0: i32) -> (i32, i32, i32) {
    %c0_i32 = arith.constant 0 : i32
    %c0_i32_0 = arith.constant 0 : i32
    %c0_i32_1 = arith.constant 0 : i32
    return %arg0, %c0_i32, %c0_i32_0 : i32, i32, i32
  }
  func.func @transform_1(%arg0: i32) -> (i32, i32) {
    %c0_i32 = arith.constant 0 : i32
    %c0_i32_0 = arith.constant 0 : i32
    return %arg0, %c0_i32 : i32, i32
  }
  func.func @transform_2(%arg0: i32) -> (i32, i32) {
    %c0_i32 = arith.constant 0 : i32
    %c0_i32_0 = arith.constant 0 : i32
    %c0_i32_1 = arith.constant 0 : i32
    return %c0_i32, %c0_i32_0 : i32, i32
  }
  func.func @transform_3(%arg0: i32) -> (i32, i32) {
    %c0_i32 = arith.constant 0 : i32
    %c0_i32_0 = arith.constant 0 : i32
    return %arg0, %c0_i32 : i32, i32
  }
}

module attributes {stable_mosaic.version = 14 : i64} {
  func.func @_combine_mm_body(%arg0: i32, %arg1: memref<1x32x1000xf32, #tpu.memory_space<vmem>>, %arg2: memref<2x1000x128xf32, #tpu.memory_space<vmem>>, %arg3: memref<1000x128xf32, #tpu.memory_space<vmem>>, %arg4: memref<1x128xf32, #tpu.memory_space<vmem>>, %arg5: memref<128x128xf32, #tpu.memory_space<vmem>>, %arg6: memref<1000x128xf32, #tpu.memory_space<vmem>>) attributes {dimension_semantics = [#tpu.dimension_semantics<arbitrary>], iteration_bounds = array<i64: 10>, scalar_prefetch = 0 : i64, scratch_operands = 0 : i64, tpu.core_type = #tpu.core_type<tc>, window_params = [{transform_indices = @transform_0, window_bounds = array<i64: 1, 32, 1000>}, {transform_indices = @transform_1, window_bounds = array<i64: 2, 1000, 128>}, {transform_indices = @transform_2, window_bounds = array<i64: 1000, 128>}, {pipeline_mode = #tpu.pipeline_mode<synchronous>, transform_indices = @transform_3, window_bounds = array<i64: 1, 128>}, {pipeline_mode = #tpu.pipeline_mode<synchronous>, transform_indices = @transform_4, window_bounds = array<i64: 128, 128>}, {transform_indices = @transform_5, window_bounds = array<i64: 1000, 128>}]} {
    %get3A = arith.constant 0 : index
    %get3A_0 = arith.constant 0 : index
    %get3A_1 = arith.constant 0 : index
    %get3A_2 = vector.load %arg1[%get3A, %get3A_0, %get3A_1] : memref<1x32x1000xf32, #tpu.memory_space<vmem>>, vector<1x32x1000xf32>
    %get3A_3 = vector.shape_cast %get3A_2 : vector<1x32x1000xf32> to vector<32x1000xf32>
    %reduce_sum3A = arith.constant dense<0.000000e+00> : vector<1000xf32>
    %reduce_sum3A_4 = vector.multi_reduction <add>, %get3A_3, %reduce_sum3A [0] : vector<32x1000xf32> to vector<1000xf32>
    %add3A = arith.constant 1.000000e+00 : f32
    %add3A_5 = vector.broadcast %add3A : f32 to vector<1000xf32>
    %add3A_6 = arith.addf %reduce_sum3A_4, %add3A_5 : vector<1000xf32>
    %rsqrt3A = math.rsqrt %add3A_6 : vector<1000xf32>
    %get3A_7 = arith.constant 0 : index
    %get3A_8 = arith.constant 0 : index
    %get3A_9 = arith.constant 0 : index
    %get3A_10 = vector.load %arg2[%get3A_7, %get3A_8, %get3A_9] : memref<2x1000x128xf32, #tpu.memory_space<vmem>>, vector<1x1000x128xf32>
    %get3A_11 = vector.shape_cast %get3A_10 : vector<1x1000x128xf32> to vector<1000x128xf32>
    %get3A_12 = arith.constant 1 : index
    %get3A_13 = arith.constant 0 : index
    %get3A_14 = arith.constant 0 : index
    %get3A_15 = vector.load %arg2[%get3A_12, %get3A_13, %get3A_14] : memref<2x1000x128xf32, #tpu.memory_space<vmem>>, vector<1x1000x128xf32>
    %get3A_16 = vector.shape_cast %get3A_15 : vector<1x1000x128xf32> to vector<1000x128xf32>
    %add3A_17 = arith.addf %get3A_11, %get3A_16 : vector<1000x128xf32>
    %get3A_18 = arith.constant 0 : index
    %get3A_19 = arith.constant 0 : index
    %get3A_20 = vector.load %arg3[%get3A_18, %get3A_19] : memref<1000x128xf32, #tpu.memory_space<vmem>>, vector<1000x128xf32>
    %add3A_21 = arith.addf %add3A_17, %get3A_20 : vector<1000x128xf32>
    %broadcast_in_dim3A = vector.shape_cast %rsqrt3A : vector<1000xf32> to vector<1000x1xf32>
    %mul3A = vector.broadcast %broadcast_in_dim3A : vector<1000x1xf32> to vector<1000x128xf32>
    %mul3A_22 = arith.mulf %add3A_21, %mul3A : vector<1000x128xf32>
    %get3A_23 = arith.constant 0 : index
    %get3A_24 = arith.constant 0 : index
    %get3A_25 = vector.load %arg4[%get3A_23, %get3A_24] : memref<1x128xf32, #tpu.memory_space<vmem>>, vector<1x128xf32>
    %add3A_26 = vector.broadcast %get3A_25 : vector<1x128xf32> to vector<1000x128xf32>
    %add3A_27 = arith.addf %mul3A_22, %add3A_26 : vector<1000x128xf32>
    %ge3A = arith.constant 0.000000e+00 : f32
    %ge3A_28 = vector.broadcast %ge3A : f32 to vector<1000x128xf32>
    %ge3A_29 = arith.cmpf oge, %add3A_27, %ge3A_28 : vector<1000x128xf32>
    %mul3A_30 = arith.constant 0.00999999977 : f32
    %mul3A_31 = vector.broadcast %mul3A_30 : f32 to vector<1000x128xf32>
    %mul3A_32 = arith.mulf %mul3A_31, %add3A_27 : vector<1000x128xf32>
    %select_n3A = arith.select %ge3A_29, %add3A_27, %mul3A_32 : vector<1000x128xi1>, vector<1000x128xf32>
    %get3A_33 = arith.constant 0 : index
    %get3A_34 = arith.constant 0 : index
    %get3A_35 = vector.load %arg5[%get3A_33, %get3A_34] : memref<128x128xf32, #tpu.memory_space<vmem>>, vector<128x128xf32>
    %dot_general3A = arith.constant dense<0.000000e+00> : vector<1000x128xf32>
    %dot_general3A_36 = tpu.matmul %select_n3A, %get3A_35, %dot_general3A {dimension_numbers = #tpu.dot_dimension_numbers<[1], [0], [0], [1], [0, 0, 1, 1], [], []>, transpose_lhs_hint = false} : vector<1000x128xf32>, vector<128x128xf32>, vector<1000x128xf32> -> vector<1000x128xf32>
    %broadcast_in_dim3A_37 = vector.shape_cast %rsqrt3A : vector<1000xf32> to vector<1000x1xf32>
    %mul3A_38 = vector.broadcast %broadcast_in_dim3A_37 : vector<1000x1xf32> to vector<1000x128xf32>
    %mul3A_39 = arith.mulf %dot_general3A_36, %mul3A_38 : vector<1000x128xf32>
    %swap3A = arith.constant 0 : index
    %swap3A_40 = arith.constant 0 : index
    %swap3A_41 = vector.load %arg6[%swap3A, %swap3A_40] : memref<1000x128xf32, #tpu.memory_space<vmem>>, vector<1000x128xf32>
    tpu.vector_store %arg6[%swap3A, %swap3A_40], %mul3A_39 {strides = array<i32>} : memref<1000x128xf32, #tpu.memory_space<vmem>>, vector<1000x128xf32>,
    return
  }
  func.func @transform_0(%arg0: i32) -> (i32, i32, i32) {
    %c0_i32 = arith.constant 0 : i32
    %c0_i32_0 = arith.constant 0 : i32
    %c0_i32_1 = arith.constant 0 : i32
    return %arg0, %c0_i32, %c0_i32_0 : i32, i32, i32
  }
  func.func @transform_1(%arg0: i32) -> (i32, i32, i32) {
    %c0_i32 = arith.constant 0 : i32
    %c0_i32_0 = arith.constant 0 : i32
    %c0_i32_1 = arith.constant 0 : i32
    return %c0_i32, %arg0, %c0_i32_0 : i32, i32, i32
  }
  func.func @transform_2(%arg0: i32) -> (i32, i32) {
    %c0_i32 = arith.constant 0 : i32
    %c0_i32_0 = arith.constant 0 : i32
    return %arg0, %c0_i32 : i32, i32
  }
  func.func @transform_3(%arg0: i32) -> (i32, i32) {
    %c0_i32 = arith.constant 0 : i32
    %c0_i32_0 = arith.constant 0 : i32
    %c0_i32_1 = arith.constant 0 : i32
    return %c0_i32, %c0_i32_0 : i32, i32
  }
  func.func @transform_4(%arg0: i32) -> (i32, i32) {
    %c0_i32 = arith.constant 0 : i32
    %c0_i32_0 = arith.constant 0 : i32
    %c0_i32_1 = arith.constant 0 : i32
    return %c0_i32, %c0_i32_0 : i32, i32
  }
  func.func @transform_5(%arg0: i32) -> (i32, i32) {
    %c0_i32 = arith.constant 0 : i32
    %c0_i32_0 = arith.constant 0 : i32
    return %arg0, %c0_i32 : i32, i32
  }
}

module attributes {stable_mosaic.version = 14 : i64} {
  func.func @_pool_head_body(%arg0: i32, %arg1: memref<1x32x1000xf32, #tpu.memory_space<vmem>>, %arg2: memref<2x1000x128xf32, #tpu.memory_space<vmem>>, %arg3: memref<1000x128xf32, #tpu.memory_space<vmem>>, %arg4: memref<1x128xf32, #tpu.memory_space<vmem>>, %arg5: memref<1x1x1000xi32, #tpu.memory_space<vmem>>, %arg6: memref<128x64xf32, #tpu.memory_space<vmem>>, %arg7: memref<1x64xf32, #tpu.memory_space<vmem>>, %arg8: memref<64x128xf32, #tpu.memory_space<vmem>>, %arg9: memref<1x128xf32, #tpu.memory_space<vmem>>, %arg10: memref<64x128xf32, #tpu.memory_space<vmem>>, %arg11: memref<64x128xf32, #tpu.memory_space<vmem>>, %arg12: memref<64x128xf32, #tpu.memory_space<vmem>>) attributes {dimension_semantics = [#tpu.dimension_semantics<arbitrary>], iteration_bounds = array<i64: 10>, scalar_prefetch = 0 : i64, scratch_operands = 2 : i64, tpu.core_type = #tpu.core_type<tc>, window_params = [{transform_indices = @transform_0, window_bounds = array<i64: 1, 32, 1000>}, {transform_indices = @transform_1, window_bounds = array<i64: 2, 1000, 128>}, {transform_indices = @transform_2, window_bounds = array<i64: 1000, 128>}, {pipeline_mode = #tpu.pipeline_mode<synchronous>, transform_indices = @transform_3, window_bounds = array<i64: 1, 128>}, {transform_indices = @transform_4, window_bounds = array<i64: 1, 1, 1000>}, {pipeline_mode = #tpu.pipeline_mode<synchronous>, transform_indices = @transform_5, window_bounds = array<i64: 128, 64>}, {pipeline_mode = #tpu.pipeline_mode<synchronous>, transform_indices = @transform_6, window_bounds = array<i64: 1, 64>}, {pipeline_mode = #tpu.pipeline_mode<synchronous>, transform_indices = @transform_7, window_bounds = array<i64: 64, 128>}, {pipeline_mode = #tpu.pipeline_mode<synchronous>, transform_indices = @transform_8, window_bounds = array<i64: 1, 128>}, {pipeline_mode = #tpu.pipeline_mode<synchronous>, transform_indices = @transform_9, window_bounds = array<i64: 64, 128>}]} {
    %eq3A = arith.constant 0 : i32
    %eq3A_0 = arith.cmpi eq, %arg0, %eq3A : i32
    %convert_element_type3A = arith.extui %eq3A_0 : i1 to i32
    %cond3A = arith.constant 0 : i32
    %cond3A_1 = arith.cmpi ne, %convert_element_type3A, %cond3A : i32
    scf.if %cond3A_1 {
      %broadcast_in_dim3A_68 = arith.constant 0.000000e+00 : f32
      %broadcast_in_dim3A_69 = vector.broadcast %broadcast_in_dim3A_68 : f32 to vector<64x128xf32>
      %swap3A_70 = arith.constant 0 : index
      %swap3A_71 = arith.constant 0 : index
      %swap3A_72 = vector.load %arg11[%swap3A_70, %swap3A_71] : memref<64x128xf32, #tpu.memory_space<vmem>>, vector<64x128xf32>
      tpu.vector_store %arg11[%swap3A_70, %swap3A_71], %broadcast_in_dim3A_69 {strides = array<i32>} : memref<64x128xf32, #tpu.memory_space<vmem>>, vector<64x128xf32>,
      %broadcast_in_dim3A_73 = arith.constant 0.000000e+00 : f32
      %broadcast_in_dim3A_74 = vector.broadcast %broadcast_in_dim3A_73 : f32 to vector<64x128xf32>
      %swap3A_75 = arith.constant 0 : index
      %swap3A_76 = arith.constant 0 : index
      %swap3A_77 = vector.load %arg12[%swap3A_75, %swap3A_76] : memref<64x128xf32, #tpu.memory_space<vmem>>, vector<64x128xf32>
      tpu.vector_store %arg12[%swap3A_75, %swap3A_76], %broadcast_in_dim3A_74 {strides = array<i32>} : memref<64x128xf32, #tpu.memory_space<vmem>>, vector<64x128xf32>,
    } else {
    }
    %get3A = arith.constant 0 : index
    %get3A_2 = arith.constant 0 : index
    %get3A_3 = arith.constant 0 : index
    %get3A_4 = vector.load %arg1[%get3A, %get3A_2, %get3A_3] : memref<1x32x1000xf32, #tpu.memory_space<vmem>>, vector<1x32x1000xf32>
    %get3A_5 = vector.shape_cast %get3A_4 : vector<1x32x1000xf32> to vector<32x1000xf32>
    %reduce_sum3A = arith.constant dense<0.000000e+00> : vector<1000xf32>
    %reduce_sum3A_6 = vector.multi_reduction <add>, %get3A_5, %reduce_sum3A [0] : vector<32x1000xf32> to vector<1000xf32>
    %add3A = arith.constant 1.000000e+00 : f32
    %add3A_7 = vector.broadcast %add3A : f32 to vector<1000xf32>
    %add3A_8 = arith.addf %reduce_sum3A_6, %add3A_7 : vector<1000xf32>
    %rsqrt3A = math.rsqrt %add3A_8 : vector<1000xf32>
    %get3A_9 = arith.constant 0 : index
    %get3A_10 = arith.constant 0 : index
    %get3A_11 = arith.constant 0 : index
    %get3A_12 = vector.load %arg2[%get3A_9, %get3A_10, %get3A_11] : memref<2x1000x128xf32, #tpu.memory_space<vmem>>, vector<1x1000x128xf32>
    %get3A_13 = vector.shape_cast %get3A_12 : vector<1x1000x128xf32> to vector<1000x128xf32>
    %get3A_14 = arith.constant 1 : index
    %get3A_15 = arith.constant 0 : index
    %get3A_16 = arith.constant 0 : index
    %get3A_17 = vector.load %arg2[%get3A_14, %get3A_15, %get3A_16] : memref<2x1000x128xf32, #tpu.memory_space<vmem>>, vector<1x1000x128xf32>
    %get3A_18 = vector.shape_cast %get3A_17 : vector<1x1000x128xf32> to vector<1000x128xf32>
    %add3A_19 = arith.addf %get3A_13, %get3A_18 : vector<1000x128xf32>
    %get3A_20 = arith.constant 0 : index
    %get3A_21 = arith.constant 0 : index
    %get3A_22 = vector.load %arg3[%get3A_20, %get3A_21] : memref<1000x128xf32, #tpu.memory_space<vmem>>, vector<1000x128xf32>
    %add3A_23 = arith.addf %add3A_19, %get3A_22 : vector<1000x128xf32>
    %broadcast_in_dim3A = vector.shape_cast %rsqrt3A : vector<1000xf32> to vector<1000x1xf32>
    %mul3A = vector.broadcast %broadcast_in_dim3A : vector<1000x1xf32> to vector<1000x128xf32>
    %mul3A_24 = arith.mulf %add3A_23, %mul3A : vector<1000x128xf32>
    %get3A_25 = arith.constant 0 : index
    %get3A_26 = arith.constant 0 : index
    %get3A_27 = vector.load %arg4[%get3A_25, %get3A_26] : memref<1x128xf32, #tpu.memory_space<vmem>>, vector<1x128xf32>
    %add3A_28 = vector.broadcast %get3A_27 : vector<1x128xf32> to vector<1000x128xf32>
    %add3A_29 = arith.addf %mul3A_24, %add3A_28 : vector<1000x128xf32>
    %ge3A = arith.constant 0.000000e+00 : f32
    %ge3A_30 = vector.broadcast %ge3A : f32 to vector<1000x128xf32>
    %ge3A_31 = arith.cmpf oge, %add3A_29, %ge3A_30 : vector<1000x128xf32>
    %mul3A_32 = arith.constant 0.00999999977 : f32
    %mul3A_33 = vector.broadcast %mul3A_32 : f32 to vector<1000x128xf32>
    %mul3A_34 = arith.mulf %mul3A_33, %add3A_29 : vector<1000x128xf32>
    %select_n3A = arith.select %ge3A_31, %add3A_29, %mul3A_34 : vector<1000x128xi1>, vector<1000x128xf32>
    %get3A_35 = arith.constant 0 : index
    %get3A_36 = arith.constant 0 : index
    %get3A_37 = arith.constant 0 : index
    %get3A_38 = vector.load %arg5[%get3A_35, %get3A_36, %get3A_37] : memref<1x1x1000xi32, #tpu.memory_space<vmem>>, vector<1x1x1000xi32>
    %get3A_39 = vector.shape_cast %get3A_38 : vector<1x1x1000xi32> to vector<1000xi32>
    %broadcast_in_dim3A_40 = vector.shape_cast %get3A_39 : vector<1000xi32> to vector<1000x1xi32>
    %iota3A = tpu.iota {dimensions = array<i32: 1>} : vector<1000x64xi32>
    %eq3A_41 = vector.broadcast %broadcast_in_dim3A_40 : vector<1000x1xi32> to vector<1000x64xi32>
    %eq3A_42 = arith.cmpi eq, %eq3A_41, %iota3A : vector<1000x64xi32>
    %convert_element_type3A_43 = arith.extui %eq3A_42 : vector<1000x64xi1> to vector<1000x64xi32>
    %convert_element_type3A_44 = arith.sitofp %convert_element_type3A_43 : vector<1000x64xi32> to vector<1000x64xf32>
    %get3A_45 = arith.constant 0 : index
    %get3A_46 = arith.constant 0 : index
    %get3A_47 = vector.load %arg11[%get3A_45, %get3A_46] : memref<64x128xf32, #tpu.memory_space<vmem>>, vector<64x128xf32>
    %dot_general3A = arith.constant dense<0.000000e+00> : vector<64x128xf32>
    %dot_general3A_48 = tpu.matmul %convert_element_type3A_44, %select_n3A, %dot_general3A {dimension_numbers = #tpu.dot_dimension_numbers<[0], [0], [1], [1], [0, 1, 1, 1], [], []>, precision = #tpu.contract_precision<fp32>, transpose_lhs_hint = false} : vector<1000x64xf32>, vector<1000x128xf32>, vector<64x128xf32> -> vector<64x128xf32>
    %add3A_49 = arith.addf %get3A_47, %dot_general3A_48 : vector<64x128xf32>
    %swap3A = arith.constant 0 : index
    %swap3A_50 = arith.constant 0 : index
    %swap3A_51 = vector.load %arg11[%swap3A, %swap3A_50] : memref<64x128xf32, #tpu.memory_space<vmem>>, vector<64x128xf32>
    tpu.vector_store %arg11[%swap3A, %swap3A_50], %add3A_49 {strides = array<i32>} : memref<64x128xf32, #tpu.memory_space<vmem>>, vector<64x128xf32>,
    %get3A_52 = arith.constant 0 : index
    %get3A_53 = arith.constant 0 : index
    %get3A_54 = vector.load %arg12[%get3A_52, %get3A_53] : memref<64x128xf32, #tpu.memory_space<vmem>>, vector<64x128xf32>
    %broadcast_in_dim3A_55 = arith.constant 1.000000e+00 : f32
    %broadcast_in_dim3A_56 = vector.broadcast %broadcast_in_dim3A_55 : f32 to vector<1000x128xf32>
    %dot_general3A_57 = arith.constant dense<0.000000e+00> : vector<64x128xf32>
    %dot_general3A_58 = tpu.matmul %convert_element_type3A_44, %broadcast_in_dim3A_56, %dot_general3A_57 {dimension_numbers = #tpu.dot_dimension_numbers<[0], [0], [1], [1], [0, 1, 1, 1], [], []>, precision = #tpu.contract_precision<fp32>, transpose_lhs_hint = false} : vector<1000x64xf32>, vector<1000x128xf32>, vector<64x128xf32> -> vector<64x128xf32>
    %add3A_59 = arith.addf %get3A_54, %dot_general3A_58 : vector<64x128xf32>
    %swap3A_60 = arith.constant 0 : index
    %swap3A_61 = arith.constant 0 : index
    %swap3A_62 = vector.load %arg12[%swap3A_60, %swap3A_61] : memref<64x128xf32, #tpu.memory_space<vmem>>, vector<64x128xf32>
    tpu.vector_store %arg12[%swap3A_60, %swap3A_61], %add3A_59 {strides = array<i32>} : memref<64x128xf32, #tpu.memory_space<vmem>>, vector<64x128xf32>,
    %eq3A_63 = arith.constant 9 : i32
    %eq3A_64 = arith.cmpi eq, %arg0, %eq3A_63 : i32
    %convert_element_type3A_65 = arith.extui %eq3A_64 : i1 to i32
    %cond3A_66 = arith.constant 0 : i32
    %cond3A_67 = arith.cmpi ne, %convert_element_type3A_65, %cond3A_66 : i32
    scf.if %cond3A_67 {
      %get3A_68 = arith.constant 0 : index
      %get3A_69 = arith.constant 0 : index
      %get3A_70 = vector.load %arg11[%get3A_68, %get3A_69] : memref<64x128xf32, #tpu.memory_space<vmem>>, vector<64x128xf32>
      %get3A_71 = arith.constant 0 : index
      %get3A_72 = arith.constant 0 : index
      %get3A_73 = vector.load %arg12[%get3A_71, %get3A_72] : memref<64x128xf32, #tpu.memory_space<vmem>>, vector<64x128xf32>
      %max3A = arith.constant 1.000000e+00 : f32
      %max3A_74 = vector.broadcast %max3A : f32 to vector<64x128xf32>
      %max3A_75 = arith.maximumf %get3A_73, %max3A_74 : vector<64x128xf32>
      %div3A = arith.divf %get3A_70, %max3A_75 : vector<64x128xf32>
      %get3A_76 = arith.constant 0 : index
      %get3A_77 = arith.constant 0 : index
      %get3A_78 = vector.load %arg6[%get3A_76, %get3A_77] : memref<128x64xf32, #tpu.memory_space<vmem>>, vector<128x64xf32>
      %dot_general3A_79 = arith.constant dense<0.000000e+00> : vector<64x64xf32>
      %dot_general3A_80 = tpu.matmul %div3A, %get3A_78, %dot_general3A_79 {dimension_numbers = #tpu.dot_dimension_numbers<[1], [0], [0], [1], [0, 0, 1, 1], [], []>, transpose_lhs_hint = false} : vector<64x128xf32>, vector<128x64xf32>, vector<64x64xf32> -> vector<64x64xf32>
      %get3A_81 = arith.constant 0 : index
      %get3A_82 = arith.constant 0 : index
      %get3A_83 = vector.load %arg7[%get3A_81, %get3A_82] : memref<1x64xf32, #tpu.memory_space<vmem>>, vector<1x64xf32>
      %add3A_84 = vector.broadcast %get3A_83 : vector<1x64xf32> to vector<64x64xf32>
      %add3A_85 = arith.addf %dot_general3A_80, %add3A_84 : vector<64x64xf32>
      %ge3A_86 = arith.constant 0.000000e+00 : f32
      %ge3A_87 = vector.broadcast %ge3A_86 : f32 to vector<64x64xf32>
      %ge3A_88 = arith.cmpf oge, %add3A_85, %ge3A_87 : vector<64x64xf32>
      %mul3A_89 = arith.constant 0.00999999977 : f32
      %mul3A_90 = vector.broadcast %mul3A_89 : f32 to vector<64x64xf32>
      %mul3A_91 = arith.mulf %mul3A_90, %add3A_85 : vector<64x64xf32>
      %select_n3A_92 = arith.select %ge3A_88, %add3A_85, %mul3A_91 : vector<64x64xi1>, vector<64x64xf32>
      %get3A_93 = arith.constant 0 : index
      %get3A_94 = arith.constant 0 : index
      %get3A_95 = vector.load %arg8[%get3A_93, %get3A_94] : memref<64x128xf32, #tpu.memory_space<vmem>>, vector<64x128xf32>
      %dot_general3A_96 = arith.constant dense<0.000000e+00> : vector<64x128xf32>
      %dot_general3A_97 = tpu.matmul %select_n3A_92, %get3A_95, %dot_general3A_96 {dimension_numbers = #tpu.dot_dimension_numbers<[1], [0], [0], [1], [0, 0, 1, 1], [], []>, transpose_lhs_hint = false} : vector<64x64xf32>, vector<64x128xf32>, vector<64x128xf32> -> vector<64x128xf32>
      %get3A_98 = arith.constant 0 : index
      %get3A_99 = arith.constant 0 : index
      %get3A_100 = vector.load %arg9[%get3A_98, %get3A_99] : memref<1x128xf32, #tpu.memory_space<vmem>>, vector<1x128xf32>
      %add3A_101 = vector.broadcast %get3A_100 : vector<1x128xf32> to vector<64x128xf32>
      %add3A_102 = arith.addf %dot_general3A_97, %add3A_101 : vector<64x128xf32>
      %swap3A_103 = arith.constant 0 : index
      %swap3A_104 = arith.constant 0 : index
      %swap3A_105 = vector.load %arg10[%swap3A_103, %swap3A_104] : memref<64x128xf32, #tpu.memory_space<vmem>>, vector<64x128xf32>
      tpu.vector_store %arg10[%swap3A_103, %swap3A_104], %add3A_102 {strides = array<i32>} : memref<64x128xf32, #tpu.memory_space<vmem>>, vector<64x128xf32>,
    } else {
    }
    return
  }
  func.func @transform_0(%arg0: i32) -> (i32, i32, i32) {
    %c0_i32 = arith.constant 0 : i32
    %c0_i32_0 = arith.constant 0 : i32
    %c0_i32_1 = arith.constant 0 : i32
    return %arg0, %c0_i32, %c0_i32_0 : i32, i32, i32
  }
  func.func @transform_1(%arg0: i32) -> (i32, i32, i32) {
    %c0_i32 = arith.constant 0 : i32
    %c0_i32_0 = arith.constant 0 : i32
    %c0_i32_1 = arith.constant 0 : i32
    return %c0_i32, %arg0, %c0_i32_0 : i32, i32, i32
  }
  func.func @transform_2(%arg0: i32) -> (i32, i32) {
    %c0_i32 = arith.constant 0 : i32
    %c0_i32_0 = arith.constant 0 : i32
    return %arg0, %c0_i32 : i32, i32
  }
  func.func @transform_3(%arg0: i32) -> (i32, i32) {
    %c0_i32 = arith.constant 0 : i32
    %c0_i32_0 = arith.constant 0 : i32
    %c0_i32_1 = arith.constant 0 : i32
    return %c0_i32, %c0_i32_0 : i32, i32
  }
  func.func @transform_4(%arg0: i32) -> (i32, i32, i32) {
    %c0_i32 = arith.constant 0 : i32
    %c0_i32_0 = arith.constant 0 : i32
    %c0_i32_1 = arith.constant 0 : i32
    return %arg0, %c0_i32, %c0_i32_0 : i32, i32, i32
  }
  func.func @transform_5(%arg0: i32) -> (i32, i32) {
    %c0_i32 = arith.constant 0 : i32
    %c0_i32_0 = arith.constant 0 : i32
    %c0_i32_1 = arith.constant 0 : i32
    return %c0_i32, %c0_i32_0 : i32, i32
  }
  func.func @transform_6(%arg0: i32) -> (i32, i32) {
    %c0_i32 = arith.constant 0 : i32
    %c0_i32_0 = arith.constant 0 : i32
    %c0_i32_1 = arith.constant 0 : i32
    return %c0_i32, %c0_i32_0 : i32, i32
  }
  func.func @transform_7(%arg0: i32) -> (i32, i32) {
    %c0_i32 = arith.constant 0 : i32
    %c0_i32_0 = arith.constant 0 : i32
    %c0_i32_1 = arith.constant 0 : i32
    return %c0_i32, %c0_i32_0 : i32, i32
  }
  func.func @transform_8(%arg0: i32) -> (i32, i32) {
    %c0_i32 = arith.constant 0 : i32
    %c0_i32_0 = arith.constant 0 : i32
    %c0_i32_1 = arith.constant 0 : i32
    return %c0_i32, %c0_i32_0 : i32, i32
  }
  func.func @transform_9(%arg0: i32) -> (i32, i32) {
    %c0_i32 = arith.constant 0 : i32
    %c0_i32_0 = arith.constant 0 : i32
    %c0_i32_1 = arith.constant 0 : i32
    return %c0_i32, %c0_i32_0 : i32, i32
  }
}

</mosaic_0001>

<sc_bundles>
// kernel: kernel.11.cloned.1.call-start
scs
__scs_entry_jumppad:
0x0: {  	(pc) =	sbr.rel $0x88, $3  }
0x1: {  	(tag) =	ssettag $0x0;
	lr =	simm.s32 $0x1  }
0x2: {  	[smem:$0x3F96] =	sst lr;
	_ =	strace $0xD0000000  }
0x3: {  	_ = 	snop  }
0x4: {  	_ = 	snop  }
0x5: {  	_ = 	snop  }
0x6: {  	_ = 	snop  }
0x7: {  	_ = 	snop  }
__scs_overlays_trampoline_lowered:
0x8: {  	[smem:$0x3FA5] =	sst s0  }
0x9: {  	[smem:$0x3FA6] =	sst s1  }
0xa: {  	[smem:$0x3FA7] =	sst s2  }
0xb: {  	[smem:$0x3FA8] =	sst s3  }
0xc: {  	[smem:$0x3FA9] =	sst s4  }
0xd: {  	[smem:$0x3FAA] =	sst s5  }
0xe: {  	[smem:$0x3FAB] =	sst s6  }
0xf: {  	[smem:$0x3FAC] =	sst s7  }
0x10: {  	[smem:$0x3FAD] =	sst s8  }
0x11: {  	[smem:$0x3FAE] =	sst s9;
	s0 =	simm.s32 @!p0 $0x0  }
0x12: {  	s1 =	sld [smem:$0x3F94];
	s0 =	simm.s32 @p0 $0x1  }
0x13: {  	[smem:$0x3FAF] =	sst s0;
	s0 =	simm.s32 @!p1 $0x0  }
0x14: {  	s2 =	sld [smem:$0x3F93];
	s0 =	simm.s32 @p1 $0x1  }
0x15: {  	[smem:$0x3FB0] =	sst s0;
	s0 =	simm.s32 @!p2 $0x0  }
0x16: {  	s3 =	sld [smem:$0x3FDB];
	s0 =	simm.s32 @p2 $0x1  }
0x17: {  	s4 =	simm.s32 $0x1BF5;
	[smem:$0x3FB2] =	sst s0  }
0x18: {  	s0 =	sld [smem:$0x3F95];
	_ =	swait.ge [sflag:s4], $0x0  }
0x19: {  	s7 =	sld [smem:$0x3F96]  }
0x1a: {  	s8 =	sadd.s32 $0xFFFFE003, lr  }
0x1b: {  	s9 =	sadd.s32 $0xFFFFFEF7, lr;
	s5 =	simm.s32 $0xFFFFFFFF;
	p2 =	slt.u32 s8, $0xFFFFF086  }
0x1c: {  	p1 =	slt.u32 s9, $0xF7A;
	s5 =	simm.s32 @!p2 $0x0  }
0x1d: {  	s5 =	simm.s32 @p1 $0x1;
	p0 =	seq.s32 s7, s2  }
0x1e: {  	s7 =	smul.u32 @!p0 $0xF7A, s2;
	p2 =	seq.s32 @!p0 s5, $0x0  }
0x1f: {  	s9 =	smul.u32 $0xF7A, s1;
	s8 =	simm.s32 @!p0 $0x1BF5;
	p2 =	por !p2, p0  }
0x20: {  	[sflag:s8] =	ssyncset.s32 @!p0 $0xFFFFF086;
	s6 =	sadd.s32 @!p0 s3, s7;
	s7 =	simm.s32 @!p0 $0x108  }
0x21: {  	s3 =	sadd.s32 s3, s9;
	s6 =	sadd.s32 @!p0 $0x88, s6;
	s7 =	simm.s32 @p2 $0x1082  }
0x22: {  	[simem:s7], [sflag:s8] =	dma.local @!p0 [hbm:s6], $0xF7A  }
0x23: {  	s9 =	sor.u32 $0xD0000000, s2;
	s6 =	simm.s32 $0x108;
	_ =	swait.ge @!p0 [sflag:s8], $0x0  }
0x24: {  	s3 =	sadd.s32 $0x88, s3;
	s6 =	simm.s32 @!p1 $0x1082;
	[sflag:s4] =	ssyncset.s32 $0xFFFFF086  }
0x25: {  	[simem:s6], [sflag:s4] =	dma.local [hbm:s3], $0xF7A  }
0x26: {  	[smem:$0x3F96] =	sst s1;
	(tag) =	ssettag s2;
	_ =	strace s9  }
0x27: {  	s1 =	sld [smem:$0x3FA6]  }
0x28: {  	s2 =	sld [smem:$0x3FA7]  }
0x29: {  	s4 =	sld [smem:$0x3FA9]  }
0x2a: {  	p0 =	seq.s32 s5, $0x0;
	s5 =	sld [smem:$0x3FAA]  }
0x2b: {  	s6 =	sld [smem:$0x3FAB]  }
0x2c: {  	s7 =	sld [smem:$0x3FAC]  }
0x2d: {  	s3 =	simm.s32 $0x108;
	s8 =	sld [smem:$0x3FAD]  }
0x2e: {  	s3 =	simm.s32 @!p0 $0x1082;
	s9 =	sld [smem:$0x3FAE]  }
0x2f: {  	lr =	sadd.s32 s0, s3;
	s0 =	sld [smem:$0x3FA5]  }
0x30: {  	s3 =	sld [smem:$0x3FA8]  }
0x31: {  	[smem:$0x3FB1] =	sst s10  }
0x32: {  	s10 =	sld [smem:$0x3FAF];
	_ =	sdelay $0x3  }
0x33: {  	p0 =	seq.s32 s10, $0x1;
	s10 =	sld [smem:$0x3FB1];
	_ =	sdelay $0x3  }
0x34: {  	[smem:$0x3FB1] =	sst s10  }
0x35: {  	s10 =	sld [smem:$0x3FB0];
	_ =	sdelay $0x3  }
0x36: {  	p1 =	seq.s32 s10, $0x1;
	s10 =	sld [smem:$0x3FB1];
	_ =	sdelay $0x3  }
0x37: {  	[smem:$0x3FB1] =	sst s10  }
0x38: {  	s10 =	sld [smem:$0x3FB2]  }
0x39: {  	_ = 	snop;
	(pc) =	sbr.ind lr, $3  }
0x3a: {  	_ = 	snop  }
0x3b: {  	_ = 	snop  }
0x3c: {  	p2 =	seq.s32 s10, $0x1;
	s10 =	sld [smem:$0x3FB1]  }
0x3d: {  	_ =	shalt  }
0x3e: {  	_ =	shalt  }
0x3f: {  	_ =	shalt  }
0x40: {  	_ =	shalt  }
0x41: {  	_ =	shalt  }
0x42: {  	_ =	shalt  }
0x43: {  	_ =	shalt  }
0x44: {  	_ =	shalt  }
0x45: {  	_ =	shalt  }
0x46: {  	_ =	shalt  }
0x47: {  	_ =	shalt  }
0x48: {  	_ =	shalt  }
0x49: {  	_ =	shalt  }
0x4a: {  	_ =	shalt  }
0x4b: {  	_ =	shalt  }
0x4c: {  	_ =	shalt  }
0x4d: {  	_ =	shalt  }
0x4e: {  	_ =	shalt  }
0x4f: {  	_ =	shalt  }
0x50: {  	_ =	shalt  }
0x51: {  	_ =	shalt  }
0x52: {  	_ =	shalt  }
0x53: {  	_ =	shalt  }
0x54: {  	_ =	shalt  }
0x55: {  	_ =	shalt  }
0x56: {  	_ =	shalt  }
0x57: {  	_ =	shalt  }
0x58: {  	_ =	shalt  }
0x59: {  	_ =	shalt  }
0x5a: {  	_ =	shalt  }
0x5b: {  	_ =	shalt  }
0x5c: {  	_ =	shalt  }
0x5d: {  	_ =	shalt  }
0x5e: {  	_ =	shalt  }
0x5f: {  	_ =	shalt  }
0x60: {  	_ =	shalt  }
0x61: {  	_ =	shalt  }
0x62: {  	_ =	shalt  }
0x63: {  	_ =	shalt  }
0x64: {  	_ =	shalt  }
0x65: {  	_ =	shalt  }
0x66: {  	_ =	shalt  }
0x67: {  	_ =	shalt  }
0x68: {  	_ =	shalt  }
0x69: {  	_ =	shalt  }
0x6a: {  	_ =	shalt  }
0x6b: {  	_ =	shalt  }
0x6c: {  	_ =	shalt  }
0x6d: {  	_ =	shalt  }
0x6e: {  	_ =	shalt  }
0x6f: {  	_ =	shalt  }
0x70: {  	_ =	shalt  }
0x71: {  	_ =	shalt  }
0x72: {  	_ =	shalt  }
0x73: {  	_ =	shalt  }
0x74: {  	_ =	shalt  }
0x75: {  	_ =	shalt  }
0x76: {  	_ =	shalt  }
0x77: {  	_ =	shalt  }
0x78: {  	_ =	shalt  }
0x79: {  	_ =	shalt  }
0x7a: {  	_ =	shalt  }
0x7b: {  	_ =	shalt  }
0x7c: {  	_ =	shalt  }
0x7d: {  	_ =	shalt  }
0x7e: {  	_ =	shalt  }
0x7f: {  	_ =	shalt  }
0x80: {  	_ =	shalt  }
0x81: {  	_ =	shalt  }
0x82: {  	_ =	shalt  }
0x83: {  	_ =	shalt  }
0x84: {  	_ =	shalt  }
0x85: {  	_ =	shalt  }
0x86: {  	_ =	shalt  }
0x87: {  	_ =	shalt  }
.Lfunc_end0:
.L_simem_size_0:
called_computation.1_lowered:
.L_overlay_start_0:
0x88: {  	s2 =	sld [smem:$0x3FD9]  }
0x89: {  	s3 =	sld [smem:$0x3FFE];
	_ =	sdelay $0x1  }
0x8a: {  	s1 =	srdreg.scid  }
0x8b: {  	s0 =	sand.u32 $0x1, s1  }
0x8c: {  	s16 =	sshll.u32 s0, $0xA;
	s2 =	sadd.s32 s3, s2  }
0x8d: {  	s2 =	sadd.s32 s2, s16  }
0x8e: {  	[smem:$0x3FBD] =	sst s2  }
0x8f: {  	_ = 	snop  }
0x90: {  	(tm) =	ssettm $0x1  }
0x91: {  	s17 =	sld [smem:$0x3FFB];
	_ =	sdelay $0x3  }
0x92: {  	_ =	strace s17  }
0x93: {  	s2 =	sld [smem:$0x3FFC];
	_ =	sdelay $0x3  }
0x94: {  	_ =	strace s2  }
0x95: {  	s2 =	sld [smem:$0x3FFD];
	_ =	sdelay $0x3  }
0x96: {  	_ =	strace s2  }
0x97: {  	_ =	strace $0x8FFFFFFF  }
0x98: {  	s18 =	sld [smem:$0x3FDB];
	_ =	sdelay $0x1  }
0x99: {  	s19 =	simm.s32 $_scs_section_size  }
0x9a: {  	s4 =	simm.s32 $_size__tile_overlayer_lowered;
	s5 =	simm.s32 $_tile_overlayer_lowered  }
0x9b: {  	s22 =	simm.s32 $0x1BFF;
	s21 =	sshll.u32 s5, $0x1;
	s2 =	sadd.s32 s19, s18  }
0x9c: {  	s6 =	simm.s32 $0x0;
	s20 =	sshll.u32 s4, $0x1;
	s4 =	sadd.s32 s21, s2  }
0x9d: {  	[timem:s6], [sflag:s22] =	dma.local [hbm:s4], s20  }
0x9e: {  	_ =	swait.ge [sflag:s22], s20  }
0x9f: {  	s3 =	ssub.s32 $0x0, s20;
	[sflag:s22] =	ssyncset.done $0x0  }
0xa0: {  	[sflag:s22] =	ssyncadd.s32 s3;
	_ =	sdelay $0x1  }
0xa1: {  	s23 =	simm.s32 $0x1B8B  }
0xa2: {  	_ =	swait.ge [sflag:s23], $0x1  }
0xa3: {  	[sflag:s23] =	ssyncset.done $0x0  }
0xa4: {  	s25 =	simm.s32 $0x1B8E;
	s24 =	sld [smem:$0x3FFE];
	[sflag:s23] =	ssyncadd.s32 $0xFFFFFFFF  }
0xa5: {  	s26 =	simm.s32 $execute0_lowered;
	[smem:$0x3FD2] =	sst s25  }
0xa6: {  	s4 =	sshll.u32 s26, $0x1;
	_ =	strace $0x80000049;
	[dreg:$0x1] =	wrdreg $0xFFFFFFFF  }
0xa7: {  	s28 =	simm.s32 $_size_execute0_lowered;
	s2 =	sadd.s32 s2, s4;
	[dreg:$0x0] =	wrdreg $0x0  }
0xa8: {  	s4 =	sshll.u32 s28, $0x1;
	[dreg:$0x2] =	wrdreg s2  }
0xa9: {  	[dreg:$0x3] =	wrdreg s4  }
0xaa: {  	[dreg:$0x4] =	wrdreg $0xC0  }
0xab: {  	_ =	task [dreg:s6], $0x5FFFF  }
0xac: {  	[dreg:$0x1] =	wrdreg $0xFFFFFFFF  }
0xad: {  	[dreg:$0x0] =	wrdreg $0x60  }
0xae: {  	[dreg:$0x2] =	wrdreg s24  }
0xaf: {  	[dreg:$0x3] =	wrdreg $0x0  }
0xb0: {  	[dreg:$0x4] =	wrdreg $0x9  }
0xb1: {  	_ =	task.clear_ibuf [dreg:s6], $0x5FFFF;
	_ =	strace $0x90000049  }
0xb2: {  	s29 =	simm.s32 $0x9;
	_ =	strace $0x8000004B  }
0xb3: {  	_ =	swait.ge [sflag:s29], $0x1  }
0xb4: {  	[sflag:s29] =	ssyncadd.s32 $0xFFFFFFFF  }
0xb5: {  	_ =	strace $0x9000004B  }
0xb6: {  	_ =	sfence  }
0xb7: {  	s30 =	sld [smem:$0x0];
	_ =	sdelay $0x2  }
0xb8: {  	s31 =	sshll.u32 s1, $0xD;
	s1 =	sshrl.u32 s1, $0x2  }
0xb9: {  	s3 =	sand.u32 $0x4000, s31;
	s1 =	sadd.s32 s1, s30  }
0xba: {  	s0 =	sor.u32 s3, s0;
	s1 =	sshll.u32 s1, $0x11  }
0xbb: {  	s0 =	sor.u32 s1, s0  }
0xbc: {  	s0 =	sadd.s32 $0x8F2B, s0  }
0xbd: {  	[sflag:s0] =	ssyncadd.remote.s32 $0x1  }
0xbe: {  	_ =	sfence.sel $0xFFFF  }
0xbf: {  	[dreg:$0x0] =	wrdreg $0xFFFFFFFF;
	(pc) =	sbr.abs _section_cstart, $3  }
0xc0: {  	[dreg:$0x1] =	wrdreg $0xFFFFFFFF  }
0xc1: {  	_ =	task.clear_ibuf [dreg:s6], $0x2FFFF;
	_ =	strace $0x9FFFFFFF  }
0xc2: {  	(tm) =	ssettm $0x7FFFFFFF  }
0xc3: {  	_ =	shalt  }
tec
execute0_lowered:
.L_overlay_start_1:
0x0: {  	(tag) =	ssettag $0x1  }
0x1: {  	s7 =	rddreg [dreg:$0x0]  }
0x2: {  	s2 =	rddreg [dreg:$0x1];
	s1 =	simm.s32 $0x0  }
0x3: {  	s0 =	stileid.u32;
	s6 =	srdreg.scid;
	s20 =	simm.s32 $0x80  }
0x4: {  	s21 =	simm.s32 $0x160C0;
	s22 =	simm.s32 $0x1;
	s23 =	simm.s32 $0x13940  }
0x5: {  	s24 =	simm.s32 $0x1A0C0;
	s28 =	simm.s32 $0x139C0;
	s29 =	simm.s32 $0x3  }
0x6: {  	s30 =	simm.s32 $0x0;
	[smem:$0x7FF] =	sst s1;
	s10 =	smul.u32 $0x13800, s0  }
0x7: {  	s11 =	sadd.s32 $0x20E00, s7;
	s12 =	sadd.s32 $0x16E00, s7;
	s4 =	sadd.s32 $0x2AE00, s7  }
0x8: {  	s8 =	sand.u32 $0x1, s6;
	s25 =	smul.u32 $0x4E000, s0;
	s13 =	sadd.s32 $0x79200, s7  }
0x9: {  	s31 =	sshll.u32 s0, $0x6;
	s17 =	sadd.s32 $0x138000, s2;
	p0 =	sne.s32 s0, $0xF  }
0xa: {  	_ =	strace $0x8000004A;
	s9 =	ssub.s32 $0x2, s8;
	s14 =	sshll.u32 s8, $0x4  }
0xb: {  	s18 =	smul.u32 $0x138800, s8;
	s17 =	sshrl.u32 @!p0 s17, $0x3;
	s5 =	sshrl.u32 s10, $0x3  }
0xc: {  	s15 =	sshrl.u32 s9, $0x1;
	s14 =	sor.u32 s0, s14;
	s6 =	sshrl.u32 s25, $0x2  }
0xd: {  	s25 =	simm.s32 $0x14D40;
	s5 =	sadd.s32 s5, s7;
	s26 =	smul.u32 $0x500, s14  }
0xe: {  	s15 =	ssub.s32 s9, s15;
	s16 =	sadd.s32 s6, s2;
	s14 =	smul.u32 $0x2800, s14  }
0xf: {  	s6 =	sor.u32 $0x1C04, s31;
	s7 =	sadd.s32 $0x79000, s7;
	s19 =	sadd.s32 s10, s18  }
0x10: {  	s18 =	sshrl.u32 s18, $0x3;
	s5 =	sadd.s32 $0x52000, s5;
	s14 =	sshrl.u32 s14, $0x3  }
0x11: {  	s19 =	sshrl.u32 s19, $0x3;
	s8 =	sadd.s32 s11, s26;
	s14 =	sadd.s32 $0x280, s14  }
0x12: {  	s9 =	sadd.s32 s12, s26;
	s26 =	simm.s32 $0x2;
	s10 =	sadd.s32 s11, s14  }
0x13: {  	s11 =	sadd.s32 s12, s14;
	s12 =	sadd.s32 s13, s19;
	s13 =	sadd.s32 s13, s18  }
0x14: {  	s14 =	smax.u32 s15, $0x1;
	s15 =	sshrl.u32 s16, $0x3;
	s16 =	simm.s32 $0x4  }
0x15: {  	s18 =	simm.s32 $0x138C0;
	s19 =	simm.s32 $0x14CC0;
	s13 =	sadd.s32 $0x27000, s13  }
.LBB2_1:
0x16: {  	[spmem:s15], [sflag:s6] =	dma.local [hbm:s5], $0x2700  }
0x17: {  	_ =	swait.ge [sflag:s16], $0x2700  }
0x18: {  	[sflag:s16] =	ssyncset.done $0x0  }
0x19: {  	s31 =	simm.s32 @!p0 $0x4;
	[sflag:s16] =	ssyncadd.s32 $0xFFFFD900  }
0x1a: {  	[spmem:s17], [sflag:s6] =	dma.local @!p0 [hbm:s7], $0x180  }
0x1b: {  	_ =	swait.ge @!p0 [sflag:s31], $0x180  }
0x1c: {  	[sflag:s31] =	ssyncset.done @!p0 $0x0  }
0x1d: {  	[sflag:s31] =	ssyncadd.s32 @!p0 $0xFFFFFE80  }
0x1e: {  	s0 =	simm.s32 $0x0;
	[bflag:$0x0] =	sbarrier.arrive $0xFFFF  }
0x1f: {  	[tilespmem:s18], [sflag:$0x4] =	stream.linear.gather [hbm4b:s8+s0], $0x1400, $0x38;
	[tilespmem:$0x1E0C0] =	vst v63  }
0x20: {  	_ =	swait.ge [sflag:s16], $0x1400  }
0x21: {  	[sflag:s16] =	ssyncset.done $0x0  }
0x22: {  	[sflag:s16] =	ssyncadd.s32 $0xFFFFEC00  }
0x23: {  	[tilespmem:s19], [sflag:$0x4] =	stream.linear.gather [hbm4b:s9+s0], $0x1400, $0x38;
	[tilespmem:$0x1E0C0] =	vst v63  }
0x24: {  	_ =	swait.ge [sflag:s16], $0x1400  }
0x25: {  	[sflag:s16] =	ssyncset.done $0x0  }
0x26: {  	[sflag:s16] =	ssyncadd.s32 $0xFFFFEC00  }
0x27: {  	[tilespmem:s21], [sflag:$0x1] =	stream.indirect.gather [hbm4b:s4+s20], $0x80, s18, s20, $0xb8;
	[tilespmem:$0x1E0C0] =	vst v63  }
0x28: {  	_ =	swait.ge [sflag:s22], $0x4000  }
0x29: {  	[sflag:s22] =	ssyncset.done $0x0  }
0x2a: {  	[sflag:s22] =	ssyncadd.s32 $0xFFFFC000  }
0x2b: {  	[spmem:s2] =	stream.indirect.scatter.add.f32 [tilespmem:s21], [sflag:$0x2], $0x80, s19, s20, $0xb8;
	[tilespmem:$0x1E0C0] =	vst v63  }
0x2c: {  	_ = 	snop  }
0x2d: {  	[tilespmem:s24], [sflag:$0x1] =	stream.indirect.gather [hbm4b:s4+s20], $0x80, s23, s20, $0xb8;
	[tilespmem:$0x1E0C0] =	vst v63  }
0x2e: {  	_ =	swait.ge [sflag:s22], $0x4000  }
0x2f: {  	[sflag:s22] =	ssyncset.done $0x0  }
0x30: {  	[sflag:s22] =	ssyncadd.s32 $0xFFFFC000  }
0x31: {  	[spmem:s2] =	stream.indirect.scatter.add.f32 [tilespmem:s24], [sflag:$0x3], $0x80, s25, s20, $0xb8;
	[tilespmem:$0x1E0C0] =	vst v63  }
0x32: {  	_ =	swait.ge [sflag:s26], $0x4000  }
0x33: {  	[sflag:s26] =	ssyncset.done $0x0  }
0x34: {  	s31 =	simm.s32 $0x0;
	[sflag:s26] =	ssyncadd.s32 $0xFFFFC000  }
0x35: {  	[tilespmem:s21], [sflag:$0x1] =	stream.indirect.gather [hbm4b:s4+s20], $0x80, s28, s20, $0xb8;
	[tilespmem:$0x1E0C0] =	vst v63  }
.LBB2_2:
0x36: {  	_ =	swait.ge [sflag:s22], $0x4000  }
0x37: {  	s0 =	sshra.s32 s31, $0x2;
	[sflag:s22] =	ssyncset.done $0x0  }
0x38: {  	s1 =	sadd.s32 $0x14DC0, s0;
	[sflag:s22] =	ssyncadd.s32 $0xFFFFC000  }
0x39: {  	[spmem:s2] =	stream.indirect.scatter.add.f32 [tilespmem:s21], [sflag:$0x2], $0x80, s1, s20, $0xb8;
	[tilespmem:$0x1E0C0] =	vst v63  }
0x3a: {  	_ =	swait.ge [sflag:s29], $0x4000  }
0x3b: {  	[sflag:s29] =	ssyncset.done $0x0  }
0x3c: {  	s3 =	sadd.s32 $0x13A40, s0;
	[sflag:s29] =	ssyncadd.s32 $0xFFFFC000  }
0x3d: {  	[tilespmem:s24], [sflag:$0x1] =	stream.indirect.gather [hbm4b:s4+s20], $0x80, s3, s20, $0xb8;
	[tilespmem:$0x1E0C0] =	vst v63  }
0x3e: {  	_ =	swait.ge [sflag:s22], $0x4000  }
0x3f: {  	[sflag:s22] =	ssyncset.done $0x0  }
0x40: {  	p1 =	seq.s32 s31, $0x4800;
	s0 =	sadd.s32 $0x14E40, s0;
	[sflag:s22] =	ssyncadd.s32 $0xFFFFC000  }
0x41: {  	[spmem:s2] =	stream.indirect.scatter.add.f32 [tilespmem:s24], [sflag:$0x3], $0x80, s0, s20, $0xb8;
	[tilespmem:$0x1E0C0] =	vst v63  }
0x42: {  	s1 =	simm.s32 @!p1 $0x80;
	s3 =	simm.s32 @!p1 $0x160C0;
	_ =	swait.ge [sflag:s26], $0x4000  }
0x43: {  	s0 =	sshra.s32 @!p1 s31, $0x2;
	s31 =	sadd.s32 @!p1 $0x400, s31;
	[sflag:s26] =	ssyncset.done $0x0  }
0x44: {  	s0 =	sadd.s32 @!p1 $0x13AC0, s0;
	p2 =	sne.s32 @!p1 s31, $0x4C00;
	[sflag:s26] =	ssyncadd.s32 $0xFFFFC000  }
0x45: {  	[tilespmem:s3], [sflag:$0x1] =	stream.indirect.gather @!p1 [hbm4b:s4+s1], $0x80, s0, s1, $0xb8;
	[tilespmem:$0x1E0C0] =	vst v63  }
0x46: {  	p1 =	por p1, !p2  }
.Ltmp0:
0x47: {  	_ = 	snop;
	(pc) =	sbr.rel @!p1 .LBB2_2-.Ltmp0, $1  }
0x48: {  	_ =	sdelay $0x3  }
0x49: {  	_ =	swait.ge [sflag:s29], $0x4000  }
0x4a: {  	[sflag:s29] =	ssyncset.done $0x0  }
0x4b: {  	s31 =	simm.s32 $0x0;
	[sflag:s29] =	ssyncadd.s32 $0xFFFFC000  }
0x4c: {  	[tilespmem:s18], [sflag:$0x4] =	stream.linear.gather [hbm4b:s10+s31], $0x1400, $0x38;
	[tilespmem:$0x1E0C0] =	vst v63  }
0x4d: {  	_ =	swait.ge [sflag:s16], $0x1400  }
0x4e: {  	[sflag:s16] =	ssyncset.done $0x0  }
0x4f: {  	[sflag:s16] =	ssyncadd.s32 $0xFFFFEC00  }
0x50: {  	[tilespmem:s19], [sflag:$0x4] =	stream.linear.gather [hbm4b:s11+s31], $0x1400, $0x38;
	[tilespmem:$0x1E0C0] =	vst v63  }
0x51: {  	_ =	swait.ge [sflag:s16], $0x1400  }
0x52: {  	[sflag:s16] =	ssyncset.done $0x0  }
0x53: {  	[sflag:s16] =	ssyncadd.s32 $0xFFFFEC00  }
0x54: {  	[tilespmem:s21], [sflag:$0x1] =	stream.indirect.gather [hbm4b:s4+s20], $0x80, s18, s20, $0xb8;
	[tilespmem:$0x1E0C0] =	vst v63  }
0x55: {  	_ =	swait.ge [sflag:s22], $0x4000  }
0x56: {  	[sflag:s22] =	ssyncset.done $0x0  }
0x57: {  	[sflag:s22] =	ssyncadd.s32 $0xFFFFC000  }
0x58: {  	[spmem:s2] =	stream.indirect.scatter.add.f32 [tilespmem:s21], [sflag:$0x2], $0x80, s19, s20, $0xb8;
	[tilespmem:$0x1E0C0] =	vst v63  }
0x59: {  	_ = 	snop  }
0x5a: {  	[tilespmem:s24], [sflag:$0x1] =	stream.indirect.gather [hbm4b:s4+s20], $0x80, s23, s20, $0xb8;
	[tilespmem:$0x1E0C0] =	vst v63  }
0x5b: {  	_ =	swait.ge [sflag:s22], $0x4000  }
0x5c: {  	[sflag:s22] =	ssyncset.done $0x0  }
0x5d: {  	[sflag:s22] =	ssyncadd.s32 $0xFFFFC000  }
0x5e: {  	[spmem:s2] =	stream.indirect.scatter.add.f32 [tilespmem:s24], [sflag:$0x3], $0x80, s25, s20, $0xb8;
	[tilespmem:$0x1E0C0] =	vst v63  }
0x5f: {  	_ =	swait.ge [sflag:s26], $0x4000  }
0x60: {  	[sflag:s26] =	ssyncset.done $0x0  }
0x61: {  	[sflag:s26] =	ssyncadd.s32 $0xFFFFC000  }
0x62: {  	[tilespmem:s21], [sflag:$0x1] =	stream.indirect.gather [hbm4b:s4+s20], $0x80, s28, s20, $0xb8;
	[tilespmem:$0x1E0C0] =	vst v63  }
.LBB2_4:
0x63: {  	_ =	swait.ge [sflag:s22], $0x4000  }
0x64: {  	s0 =	sshra.s32 s31, $0x2;
	[sflag:s22] =	ssyncset.done $0x0  }
0x65: {  	s1 =	sadd.s32 $0x14DC0, s0;
	[sflag:s22] =	ssyncadd.s32 $0xFFFFC000  }
0x66: {  	[spmem:s2] =	stream.indirect.scatter.add.f32 [tilespmem:s21], [sflag:$0x2], $0x80, s1, s20, $0xb8;
	[tilespmem:$0x1E0C0] =	vst v63  }
0x67: {  	_ =	swait.ge [sflag:s29], $0x4000  }
0x68: {  	[sflag:s29] =	ssyncset.done $0x0  }
0x69: {  	s3 =	sadd.s32 $0x13A40, s0;
	[sflag:s29] =	ssyncadd.s32 $0xFFFFC000  }
0x6a: {  	[tilespmem:s24], [sflag:$0x1] =	stream.indirect.gather [hbm4b:s4+s20], $0x80, s3, s20, $0xb8;
	[tilespmem:$0x1E0C0] =	vst v63  }
0x6b: {  	_ =	swait.ge [sflag:s22], $0x4000  }
0x6c: {  	[sflag:s22] =	ssyncset.done $0x0  }
0x6d: {  	p1 =	seq.s32 s31, $0x4800;
	s0 =	sadd.s32 $0x14E40, s0;
	[sflag:s22] =	ssyncadd.s32 $0xFFFFC000  }
0x6e: {  	[spmem:s2] =	stream.indirect.scatter.add.f32 [tilespmem:s24], [sflag:$0x3], $0x80, s0, s20, $0xb8;
	[tilespmem:$0x1E0C0] =	vst v63  }
0x6f: {  	s1 =	simm.s32 @!p1 $0x80;
	s3 =	simm.s32 @!p1 $0x160C0;
	_ =	swait.ge [sflag:s26], $0x4000  }
0x70: {  	s0 =	sshra.s32 @!p1 s31, $0x2;
	s31 =	sadd.s32 @!p1 $0x400, s31;
	[sflag:s26] =	ssyncset.done $0x0  }
0x71: {  	s0 =	sadd.s32 @!p1 $0x13AC0, s0;
	p2 =	sne.s32 @!p1 s31, $0x4C00;
	[sflag:s26] =	ssyncadd.s32 $0xFFFFC000  }
0x72: {  	[tilespmem:s3], [sflag:$0x1] =	stream.indirect.gather @!p1 [hbm4b:s4+s1], $0x80, s0, s1, $0xb8;
	[tilespmem:$0x1E0C0] =	vst v63  }
0x73: {  	p1 =	por p1, !p2  }
.Ltmp1:
0x74: {  	_ = 	snop;
	(pc) =	sbr.rel @!p1 .LBB2_4-.Ltmp1, $1  }
0x75: {  	_ =	sdelay $0x3  }
0x76: {  	_ =	swait.ge [sflag:s29], $0x4000  }
0x77: {  	[sflag:s29] =	ssyncset.done $0x0  }
0x78: {  	[sflag:s29] =	ssyncadd.s32 $0xFFFFC000  }
0x79: {  	[bflag:$0x0] =	sbarrier.arrive $0xFFFF  }
0x7a: {  	[hbm:s12], [sflag:s6] =	dma.local [spmem:s15], $0x2700  }
0x7b: {  	s30 =	sadd.s32 $0x1, s30;
	_ =	swait.ge [sflag:s16], $0x2700  }
0x7c: {  	p1 =	sne.s32 s30, s14;
	[sflag:s16] =	ssyncset.done $0x0  }
.Ltmp2:
0x7d: {  	s0 =	simm.s32 @!p0 $0x4;
	[sflag:s16] =	ssyncadd.s32 $0xFFFFD900;
	(pc) =	sbr.rel @p1 .LBB2_1-.Ltmp2, $4  }
0x7e: {  	[hbm:s13], [sflag:s6] =	dma.local @!p0 [spmem:s17], $0x100  }
0x7f: {  	_ =	swait.ge @!p0 [sflag:s0], $0x100  }
0x80: {  	[sflag:s0] =	ssyncset.done @!p0 $0x0  }
0x81: {  	[sflag:s0] =	ssyncadd.s32 @!p0 $0xFFFFFF00  }
0x82: {  	_ =	sfence.sel $0x180000  }
0x83: {  	[bflag:$0x0] =	sbarrier.arrive $0xFFFF  }
0x84: {  	_ =	strace $0x9000004A  }
0x85: {  	s0 =	stileid.u32;
	[bflag:$0x2] =	sbarrier.arrive $0xFFFF  }
0x86: {  	p0 =	sne.s32 s0, $0x0;
	s0 =	rddreg [dreg:$0x2]  }
0x87: {  	s0 =	sadd.s32 @!p0 $0x100000, s0  }
0x88: {  	[sflag:s0] =	ssyncadd.tile.s32 @!p0 $0x1;
	_ =	shalt  }
.Lfunc_end2:
_tile_overlayer_lowered:
.L_overlay_start_2:
0x89: {  	(tag) =	ssettag $0x2  }
0x8a: {  	s0 =	rddreg [dreg:$0x0];
	s2 =	stileid.u32  }
0x8b: {  	s1 =	rddreg [dreg:$0x1];
	p0 =	sne.s32 s2, $0x0  }
0x8c: {  	s3 =	rddreg [dreg:$0x2];
	[bflag:$0x3] =	sbarrier.arrive $0xFFFF;
	s2 =	simm.s32 @!p0 $0x1C04  }
0x8d: {  	[timem:s3], [sflag:s2] =	dma.local @!p0 [hbm:s0], s1  }
0x8e: {  	s0 =	simm.s32 @!p0 $0x4  }
0x8f: {  	_ =	swait.ge @!p0 [sflag:s0], s1  }
0x90: {  	s1 =	ssub.s32 @!p0 $0x0, s1;
	[sflag:s0] =	ssyncset.done @!p0 $0x0  }
0x91: {  	[sflag:s0] =	ssyncadd.s32 @!p0 s1  }
0x92: {  	[bflag:$0x3] =	sbarrier.arrive $0xFFFF  }
0x93: {  	_ =	shalt  }

// kernel: kernel.14.cloned.1.call-start
scs
__scs_entry_jumppad:
0x0: {  	(pc) =	sbr.rel $0x88, $3  }
0x1: {  	(tag) =	ssettag $0x0;
	lr =	simm.s32 $0x1  }
0x2: {  	[smem:$0x3F96] =	sst lr;
	_ =	strace $0xD0000000  }
0x3: {  	_ = 	snop  }
0x4: {  	_ = 	snop  }
0x5: {  	_ = 	snop  }
0x6: {  	_ = 	snop  }
0x7: {  	_ = 	snop  }
__scs_overlays_trampoline_lowered:
0x8: {  	[smem:$0x3FA5] =	sst s0  }
0x9: {  	[smem:$0x3FA6] =	sst s1  }
0xa: {  	[smem:$0x3FA7] =	sst s2  }
0xb: {  	[smem:$0x3FA8] =	sst s3  }
0xc: {  	[smem:$0x3FA9] =	sst s4  }
0xd: {  	[smem:$0x3FAA] =	sst s5  }
0xe: {  	[smem:$0x3FAB] =	sst s6  }
0xf: {  	[smem:$0x3FAC] =	sst s7  }
0x10: {  	[smem:$0x3FAD] =	sst s8  }
0x11: {  	[smem:$0x3FAE] =	sst s9;
	s0 =	simm.s32 @!p0 $0x0  }
0x12: {  	s1 =	sld [smem:$0x3F94];
	s0 =	simm.s32 @p0 $0x1  }
0x13: {  	[smem:$0x3FAF] =	sst s0;
	s0 =	simm.s32 @!p1 $0x0  }
0x14: {  	s2 =	sld [smem:$0x3F93];
	s0 =	simm.s32 @p1 $0x1  }
0x15: {  	[smem:$0x3FB0] =	sst s0;
	s0 =	simm.s32 @!p2 $0x0  }
0x16: {  	s3 =	sld [smem:$0x3FDB];
	s0 =	simm.s32 @p2 $0x1  }
0x17: {  	s4 =	simm.s32 $0x1BF5;
	[smem:$0x3FB2] =	sst s0  }
0x18: {  	s0 =	sld [smem:$0x3F95];
	_ =	swait.ge [sflag:s4], $0x0  }
0x19: {  	s7 =	sld [smem:$0x3F96]  }
0x1a: {  	s8 =	sadd.s32 $0xFFFFE003, lr  }
0x1b: {  	s9 =	sadd.s32 $0xFFFFFEF7, lr;
	s5 =	simm.s32 $0xFFFFFFFF;
	p2 =	slt.u32 s8, $0xFFFFF086  }
0x1c: {  	p1 =	slt.u32 s9, $0xF7A;
	s5 =	simm.s32 @!p2 $0x0  }
0x1d: {  	s5 =	simm.s32 @p1 $0x1;
	p0 =	seq.s32 s7, s2  }
0x1e: {  	s7 =	smul.u32 @!p0 $0xF7A, s2;
	p2 =	seq.s32 @!p0 s5, $0x0  }
0x1f: {  	s9 =	smul.u32 $0xF7A, s1;
	s8 =	simm.s32 @!p0 $0x1BF5;
	p2 =	por !p2, p0  }
0x20: {  	[sflag:s8] =	ssyncset.s32 @!p0 $0xFFFFF086;
	s6 =	sadd.s32 @!p0 s3, s7;
	s7 =	simm.s32 @!p0 $0x108  }
0x21: {  	s3 =	sadd.s32 s3, s9;
	s6 =	sadd.s32 @!p0 $0x88, s6;
	s7 =	simm.s32 @p2 $0x1082  }
0x22: {  	[simem:s7], [sflag:s8] =	dma.local @!p0 [hbm:s6], $0xF7A  }
0x23: {  	s9 =	sor.u32 $0xD0000000, s2;
	s6 =	simm.s32 $0x108;
	_ =	swait.ge @!p0 [sflag:s8], $0x0  }
0x24: {  	s3 =	sadd.s32 $0x88, s3;
	s6 =	simm.s32 @!p1 $0x1082;
	[sflag:s4] =	ssyncset.s32 $0xFFFFF086  }
0x25: {  	[simem:s6], [sflag:s4] =	dma.local [hbm:s3], $0xF7A  }
0x26: {  	[smem:$0x3F96] =	sst s1;
	(tag) =	ssettag s2;
	_ =	strace s9  }
0x27: {  	s1 =	sld [smem:$0x3FA6]  }
0x28: {  	s2 =	sld [smem:$0x3FA7]  }
0x29: {  	s4 =	sld [smem:$0x3FA9]  }
0x2a: {  	p0 =	seq.s32 s5, $0x0;
	s5 =	sld [smem:$0x3FAA]  }
0x2b: {  	s6 =	sld [smem:$0x3FAB]  }
0x2c: {  	s7 =	sld [smem:$0x3FAC]  }
0x2d: {  	s3 =	simm.s32 $0x108;
	s8 =	sld [smem:$0x3FAD]  }
0x2e: {  	s3 =	simm.s32 @!p0 $0x1082;
	s9 =	sld [smem:$0x3FAE]  }
0x2f: {  	lr =	sadd.s32 s0, s3;
	s0 =	sld [smem:$0x3FA5]  }
0x30: {  	s3 =	sld [smem:$0x3FA8]  }
0x31: {  	[smem:$0x3FB1] =	sst s10  }
0x32: {  	s10 =	sld [smem:$0x3FAF];
	_ =	sdelay $0x3  }
0x33: {  	p0 =	seq.s32 s10, $0x1;
	s10 =	sld [smem:$0x3FB1];
	_ =	sdelay $0x3  }
0x34: {  	[smem:$0x3FB1] =	sst s10  }
0x35: {  	s10 =	sld [smem:$0x3FB0];
	_ =	sdelay $0x3  }
0x36: {  	p1 =	seq.s32 s10, $0x1;
	s10 =	sld [smem:$0x3FB1];
	_ =	sdelay $0x3  }
0x37: {  	[smem:$0x3FB1] =	sst s10  }
0x38: {  	s10 =	sld [smem:$0x3FB2]  }
0x39: {  	_ = 	snop;
	(pc) =	sbr.ind lr, $3  }
0x3a: {  	_ = 	snop  }
0x3b: {  	_ = 	snop  }
0x3c: {  	p2 =	seq.s32 s10, $0x1;
	s10 =	sld [smem:$0x3FB1]  }
0x3d: {  	_ =	shalt  }
0x3e: {  	_ =	shalt  }
0x3f: {  	_ =	shalt  }
0x40: {  	_ =	shalt  }
0x41: {  	_ =	shalt  }
0x42: {  	_ =	shalt  }
0x43: {  	_ =	shalt  }
0x44: {  	_ =	shalt  }
0x45: {  	_ =	shalt  }
0x46: {  	_ =	shalt  }
0x47: {  	_ =	shalt  }
0x48: {  	_ =	shalt  }
0x49: {  	_ =	shalt  }
0x4a: {  	_ =	shalt  }
0x4b: {  	_ =	shalt  }
0x4c: {  	_ =	shalt  }
0x4d: {  	_ =	shalt  }
0x4e: {  	_ =	shalt  }
0x4f: {  	_ =	shalt  }
0x50: {  	_ =	shalt  }
0x51: {  	_ =	shalt  }
0x52: {  	_ =	shalt  }
0x53: {  	_ =	shalt  }
0x54: {  	_ =	shalt  }
0x55: {  	_ =	shalt  }
0x56: {  	_ =	shalt  }
0x57: {  	_ =	shalt  }
0x58: {  	_ =	shalt  }
0x59: {  	_ =	shalt  }
0x5a: {  	_ =	shalt  }
0x5b: {  	_ =	shalt  }
0x5c: {  	_ =	shalt  }
0x5d: {  	_ =	shalt  }
0x5e: {  	_ =	shalt  }
0x5f: {  	_ =	shalt  }
0x60: {  	_ =	shalt  }
0x61: {  	_ =	shalt  }
0x62: {  	_ =	shalt  }
0x63: {  	_ =	shalt  }
0x64: {  	_ =	shalt  }
0x65: {  	_ =	shalt  }
0x66: {  	_ =	shalt  }
0x67: {  	_ =	shalt  }
0x68: {  	_ =	shalt  }
0x69: {  	_ =	shalt  }
0x6a: {  	_ =	shalt  }
0x6b: {  	_ =	shalt  }
0x6c: {  	_ =	shalt  }
0x6d: {  	_ =	shalt  }
0x6e: {  	_ =	shalt  }
0x6f: {  	_ =	shalt  }
0x70: {  	_ =	shalt  }
0x71: {  	_ =	shalt  }
0x72: {  	_ =	shalt  }
0x73: {  	_ =	shalt  }
0x74: {  	_ =	shalt  }
0x75: {  	_ =	shalt  }
0x76: {  	_ =	shalt  }
0x77: {  	_ =	shalt  }
0x78: {  	_ =	shalt  }
0x79: {  	_ =	shalt  }
0x7a: {  	_ =	shalt  }
0x7b: {  	_ =	shalt  }
0x7c: {  	_ =	shalt  }
0x7d: {  	_ =	shalt  }
0x7e: {  	_ =	shalt  }
0x7f: {  	_ =	shalt  }
0x80: {  	_ =	shalt  }
0x81: {  	_ =	shalt  }
0x82: {  	_ =	shalt  }
0x83: {  	_ =	shalt  }
0x84: {  	_ =	shalt  }
0x85: {  	_ =	shalt  }
0x86: {  	_ =	shalt  }
0x87: {  	_ =	shalt  }
.Lfunc_end0:
.L_simem_size_0:
called_computation.2_lowered:
.L_overlay_start_0:
0x88: {  	s2 =	sld [smem:$0x3FD9]  }
0x89: {  	s3 =	sld [smem:$0x3FFE];
	_ =	sdelay $0x1  }
0x8a: {  	s1 =	srdreg.scid  }
0x8b: {  	s0 =	sand.u32 $0x1, s1  }
0x8c: {  	s16 =	sshll.u32 s0, $0xA;
	s2 =	sadd.s32 s3, s2  }
0x8d: {  	s2 =	sadd.s32 s2, s16  }
0x8e: {  	[smem:$0x3FBD] =	sst s2  }
0x8f: {  	_ = 	snop  }
0x90: {  	(tm) =	ssettm $0x1  }
0x91: {  	s17 =	sld [smem:$0x3FFB];
	_ =	sdelay $0x3  }
0x92: {  	_ =	strace s17  }
0x93: {  	s2 =	sld [smem:$0x3FFC];
	_ =	sdelay $0x3  }
0x94: {  	_ =	strace s2  }
0x95: {  	s2 =	sld [smem:$0x3FFD];
	_ =	sdelay $0x3  }
0x96: {  	_ =	strace s2  }
0x97: {  	_ =	strace $0x8FFFFFFF  }
0x98: {  	s18 =	sld [smem:$0x3FDB];
	_ =	sdelay $0x1  }
0x99: {  	s19 =	simm.s32 $_scs_section_size  }
0x9a: {  	s4 =	simm.s32 $_size__tile_overlayer_lowered;
	s5 =	simm.s32 $_tile_overlayer_lowered  }
0x9b: {  	s22 =	simm.s32 $0x1BFF;
	s21 =	sshll.u32 s5, $0x1;
	s2 =	sadd.s32 s19, s18  }
0x9c: {  	s6 =	simm.s32 $0x0;
	s20 =	sshll.u32 s4, $0x1;
	s4 =	sadd.s32 s21, s2  }
0x9d: {  	[timem:s6], [sflag:s22] =	dma.local [hbm:s4], s20  }
0x9e: {  	_ =	swait.ge [sflag:s22], s20  }
0x9f: {  	s3 =	ssub.s32 $0x0, s20;
	[sflag:s22] =	ssyncset.done $0x0  }
0xa0: {  	[sflag:s22] =	ssyncadd.s32 s3;
	_ =	sdelay $0x1  }
0xa1: {  	s23 =	simm.s32 $0x1B8B  }
0xa2: {  	_ =	swait.ge [sflag:s23], $0x1  }
0xa3: {  	[sflag:s23] =	ssyncset.done $0x0  }
0xa4: {  	s25 =	simm.s32 $0x1B8E;
	s24 =	sld [smem:$0x3FFE];
	[sflag:s23] =	ssyncadd.s32 $0xFFFFFFFF  }
0xa5: {  	s26 =	simm.s32 $execute0_lowered;
	[smem:$0x3FD2] =	sst s25  }
0xa6: {  	s4 =	sshll.u32 s26, $0x1;
	_ =	strace $0x8000004C;
	[dreg:$0x1] =	wrdreg $0xFFFFFFFF  }
0xa7: {  	s28 =	simm.s32 $_size_execute0_lowered;
	s2 =	sadd.s32 s2, s4;
	[dreg:$0x0] =	wrdreg $0x0  }
0xa8: {  	s4 =	sshll.u32 s28, $0x1;
	[dreg:$0x2] =	wrdreg s2  }
0xa9: {  	[dreg:$0x3] =	wrdreg s4  }
0xaa: {  	[dreg:$0x4] =	wrdreg $0xC0  }
0xab: {  	_ =	task [dreg:s6], $0x5FFFF  }
0xac: {  	[dreg:$0x1] =	wrdreg $0xFFFFFFFF  }
0xad: {  	[dreg:$0x0] =	wrdreg $0x60  }
0xae: {  	[dreg:$0x2] =	wrdreg s24  }
0xaf: {  	[dreg:$0x3] =	wrdreg $0x0  }
0xb0: {  	[dreg:$0x4] =	wrdreg $0x9  }
0xb1: {  	_ =	task.clear_ibuf [dreg:s6], $0x5FFFF;
	_ =	strace $0x9000004C  }
0xb2: {  	s29 =	simm.s32 $0x9;
	_ =	strace $0x8000004E  }
0xb3: {  	_ =	swait.ge [sflag:s29], $0x1  }
0xb4: {  	[sflag:s29] =	ssyncadd.s32 $0xFFFFFFFF  }
0xb5: {  	_ =	strace $0x9000004E  }
0xb6: {  	_ =	sfence  }
0xb7: {  	s30 =	sld [smem:$0x0];
	_ =	sdelay $0x2  }
0xb8: {  	s31 =	sshll.u32 s1, $0xD;
	s1 =	sshrl.u32 s1, $0x2  }
0xb9: {  	s3 =	sand.u32 $0x4000, s31;
	s1 =	sadd.s32 s1, s30  }
0xba: {  	s0 =	sor.u32 s3, s0;
	s1 =	sshll.u32 s1, $0x11  }
0xbb: {  	s0 =	sor.u32 s1, s0  }
0xbc: {  	s0 =	sadd.s32 $0x8F2B, s0  }
0xbd: {  	[sflag:s0] =	ssyncadd.remote.s32 $0x1  }
0xbe: {  	_ =	sfence.sel $0xFFFF  }
0xbf: {  	[dreg:$0x0] =	wrdreg $0xFFFFFFFF;
	(pc) =	sbr.abs _section_cstart, $3  }
0xc0: {  	[dreg:$0x1] =	wrdreg $0xFFFFFFFF  }
0xc1: {  	_ =	task.clear_ibuf [dreg:s6], $0x2FFFF;
	_ =	strace $0x9FFFFFFF  }
0xc2: {  	(tm) =	ssettm $0x7FFFFFFF  }
0xc3: {  	_ =	shalt  }
tec
execute0_lowered:
.L_overlay_start_1:
0x0: {  	(tag) =	ssettag $0x1  }
0x1: {  	s7 =	rddreg [dreg:$0x0]  }
0x2: {  	s2 =	rddreg [dreg:$0x1];
	s1 =	simm.s32 $0x0  }
0x3: {  	s0 =	stileid.u32;
	s6 =	srdreg.scid;
	s20 =	simm.s32 $0x80  }
0x4: {  	s21 =	simm.s32 $0x160C0;
	s22 =	simm.s32 $0x1;
	s23 =	simm.s32 $0x13940  }
0x5: {  	s24 =	simm.s32 $0x1A0C0;
	s28 =	simm.s32 $0x139C0;
	s29 =	simm.s32 $0x3  }
0x6: {  	s30 =	simm.s32 $0x0;
	[smem:$0x7FF] =	sst s1;
	s10 =	smul.u32 $0x13800, s0  }
0x7: {  	s11 =	sadd.s32 $0x20E00, s7;
	s12 =	sadd.s32 $0x16E00, s7;
	s4 =	sadd.s32 $0x2AE00, s7  }
0x8: {  	s8 =	sand.u32 $0x1, s6;
	s25 =	smul.u32 $0x4E000, s0;
	s13 =	sadd.s32 $0x79200, s7  }
0x9: {  	s31 =	sshll.u32 s0, $0x6;
	s17 =	sadd.s32 $0x138000, s2;
	p0 =	sne.s32 s0, $0xF  }
0xa: {  	_ =	strace $0x8000004D;
	s9 =	ssub.s32 $0x2, s8;
	s14 =	sshll.u32 s8, $0x4  }
0xb: {  	s18 =	smul.u32 $0x138800, s8;
	s17 =	sshrl.u32 @!p0 s17, $0x3;
	s5 =	sshrl.u32 s10, $0x3  }
0xc: {  	s15 =	sshrl.u32 s9, $0x1;
	s14 =	sor.u32 s0, s14;
	s6 =	sshrl.u32 s25, $0x2  }
0xd: {  	s25 =	simm.s32 $0x14D40;
	s5 =	sadd.s32 s5, s7;
	s26 =	smul.u32 $0x500, s14  }
0xe: {  	s15 =	ssub.s32 s9, s15;
	s16 =	sadd.s32 s6, s2;
	s14 =	smul.u32 $0x2800, s14  }
0xf: {  	s6 =	sor.u32 $0x1C04, s31;
	s7 =	sadd.s32 $0x79000, s7;
	s19 =	sadd.s32 s10, s18  }
0x10: {  	s18 =	sshrl.u32 s18, $0x3;
	s5 =	sadd.s32 $0x52000, s5;
	s14 =	sshrl.u32 s14, $0x3  }
0x11: {  	s19 =	sshrl.u32 s19, $0x3;
	s8 =	sadd.s32 s11, s26;
	s14 =	sadd.s32 $0x280, s14  }
0x12: {  	s9 =	sadd.s32 s12, s26;
	s26 =	simm.s32 $0x2;
	s10 =	sadd.s32 s11, s14  }
0x13: {  	s11 =	sadd.s32 s12, s14;
	s12 =	sadd.s32 s13, s19;
	s13 =	sadd.s32 s13, s18  }
0x14: {  	s14 =	smax.u32 s15, $0x1;
	s15 =	sshrl.u32 s16, $0x3;
	s16 =	simm.s32 $0x4  }
0x15: {  	s18 =	simm.s32 $0x138C0;
	s19 =	simm.s32 $0x14CC0;
	s13 =	sadd.s32 $0x27000, s13  }
.LBB2_1:
0x16: {  	[spmem:s15], [sflag:s6] =	dma.local [hbm:s5], $0x2700  }
0x17: {  	_ =	swait.ge [sflag:s16], $0x2700  }
0x18: {  	[sflag:s16] =	ssyncset.done $0x0  }
0x19: {  	s31 =	simm.s32 @!p0 $0x4;
	[sflag:s16] =	ssyncadd.s32 $0xFFFFD900  }
0x1a: {  	[spmem:s17], [sflag:s6] =	dma.local @!p0 [hbm:s7], $0x180  }
0x1b: {  	_ =	swait.ge @!p0 [sflag:s31], $0x180  }
0x1c: {  	[sflag:s31] =	ssyncset.done @!p0 $0x0  }
0x1d: {  	[sflag:s31] =	ssyncadd.s32 @!p0 $0xFFFFFE80  }
0x1e: {  	s0 =	simm.s32 $0x0;
	[bflag:$0x0] =	sbarrier.arrive $0xFFFF  }
0x1f: {  	[tilespmem:s18], [sflag:$0x4] =	stream.linear.gather [hbm4b:s8+s0], $0x1400, $0x38;
	[tilespmem:$0x1E0C0] =	vst v63  }
0x20: {  	_ =	swait.ge [sflag:s16], $0x1400  }
0x21: {  	[sflag:s16] =	ssyncset.done $0x0  }
0x22: {  	[sflag:s16] =	ssyncadd.s32 $0xFFFFEC00  }
0x23: {  	[tilespmem:s19], [sflag:$0x4] =	stream.linear.gather [hbm4b:s9+s0], $0x1400, $0x38;
	[tilespmem:$0x1E0C0] =	vst v63  }
0x24: {  	_ =	swait.ge [sflag:s16], $0x1400  }
0x25: {  	[sflag:s16] =	ssyncset.done $0x0  }
0x26: {  	[sflag:s16] =	ssyncadd.s32 $0xFFFFEC00  }
0x27: {  	[tilespmem:s21], [sflag:$0x1] =	stream.indirect.gather [hbm4b:s4+s20], $0x80, s18, s20, $0xb8;
	[tilespmem:$0x1E0C0] =	vst v63  }
0x28: {  	_ =	swait.ge [sflag:s22], $0x4000  }
0x29: {  	[sflag:s22] =	ssyncset.done $0x0  }
0x2a: {  	[sflag:s22] =	ssyncadd.s32 $0xFFFFC000  }
0x2b: {  	[spmem:s2] =	stream.indirect.scatter.add.f32 [tilespmem:s21], [sflag:$0x2], $0x80, s19, s20, $0xb8;
	[tilespmem:$0x1E0C0] =	vst v63  }
0x2c: {  	_ = 	snop  }
0x2d: {  	[tilespmem:s24], [sflag:$0x1] =	stream.indirect.gather [hbm4b:s4+s20], $0x80, s23, s20, $0xb8;
	[tilespmem:$0x1E0C0] =	vst v63  }
0x2e: {  	_ =	swait.ge [sflag:s22], $0x4000  }
0x2f: {  	[sflag:s22] =	ssyncset.done $0x0  }
0x30: {  	[sflag:s22] =	ssyncadd.s32 $0xFFFFC000  }
0x31: {  	[spmem:s2] =	stream.indirect.scatter.add.f32 [tilespmem:s24], [sflag:$0x3], $0x80, s25, s20, $0xb8;
	[tilespmem:$0x1E0C0] =	vst v63  }
0x32: {  	_ =	swait.ge [sflag:s26], $0x4000  }
0x33: {  	[sflag:s26] =	ssyncset.done $0x0  }
0x34: {  	s31 =	simm.s32 $0x0;
	[sflag:s26] =	ssyncadd.s32 $0xFFFFC000  }
0x35: {  	[tilespmem:s21], [sflag:$0x1] =	stream.indirect.gather [hbm4b:s4+s20], $0x80, s28, s20, $0xb8;
	[tilespmem:$0x1E0C0] =	vst v63  }
.LBB2_2:
0x36: {  	_ =	swait.ge [sflag:s22], $0x4000  }
0x37: {  	s0 =	sshra.s32 s31, $0x2;
	[sflag:s22] =	ssyncset.done $0x0  }
0x38: {  	s1 =	sadd.s32 $0x14DC0, s0;
	[sflag:s22] =	ssyncadd.s32 $0xFFFFC000  }
0x39: {  	[spmem:s2] =	stream.indirect.scatter.add.f32 [tilespmem:s21], [sflag:$0x2], $0x80, s1, s20, $0xb8;
	[tilespmem:$0x1E0C0] =	vst v63  }
0x3a: {  	_ =	swait.ge [sflag:s29], $0x4000  }
0x3b: {  	[sflag:s29] =	ssyncset.done $0x0  }
0x3c: {  	s3 =	sadd.s32 $0x13A40, s0;
	[sflag:s29] =	ssyncadd.s32 $0xFFFFC000  }
0x3d: {  	[tilespmem:s24], [sflag:$0x1] =	stream.indirect.gather [hbm4b:s4+s20], $0x80, s3, s20, $0xb8;
	[tilespmem:$0x1E0C0] =	vst v63  }
0x3e: {  	_ =	swait.ge [sflag:s22], $0x4000  }
0x3f: {  	[sflag:s22] =	ssyncset.done $0x0  }
0x40: {  	p1 =	seq.s32 s31, $0x4800;
	s0 =	sadd.s32 $0x14E40, s0;
	[sflag:s22] =	ssyncadd.s32 $0xFFFFC000  }
0x41: {  	[spmem:s2] =	stream.indirect.scatter.add.f32 [tilespmem:s24], [sflag:$0x3], $0x80, s0, s20, $0xb8;
	[tilespmem:$0x1E0C0] =	vst v63  }
0x42: {  	s1 =	simm.s32 @!p1 $0x80;
	s3 =	simm.s32 @!p1 $0x160C0;
	_ =	swait.ge [sflag:s26], $0x4000  }
0x43: {  	s0 =	sshra.s32 @!p1 s31, $0x2;
	s31 =	sadd.s32 @!p1 $0x400, s31;
	[sflag:s26] =	ssyncset.done $0x0  }
0x44: {  	s0 =	sadd.s32 @!p1 $0x13AC0, s0;
	p2 =	sne.s32 @!p1 s31, $0x4C00;
	[sflag:s26] =	ssyncadd.s32 $0xFFFFC000  }
0x45: {  	[tilespmem:s3], [sflag:$0x1] =	stream.indirect.gather @!p1 [hbm4b:s4+s1], $0x80, s0, s1, $0xb8;
	[tilespmem:$0x1E0C0] =	vst v63  }
0x46: {  	p1 =	por p1, !p2  }
.Ltmp0:
0x47: {  	_ = 	snop;
	(pc) =	sbr.rel @!p1 .LBB2_2-.Ltmp0, $1  }
0x48: {  	_ =	sdelay $0x3  }
0x49: {  	_ =	swait.ge [sflag:s29], $0x4000  }
0x4a: {  	[sflag:s29] =	ssyncset.done $0x0  }
0x4b: {  	s31 =	simm.s32 $0x0;
	[sflag:s29] =	ssyncadd.s32 $0xFFFFC000  }
0x4c: {  	[tilespmem:s18], [sflag:$0x4] =	stream.linear.gather [hbm4b:s10+s31], $0x1400, $0x38;
	[tilespmem:$0x1E0C0] =	vst v63  }
0x4d: {  	_ =	swait.ge [sflag:s16], $0x1400  }
0x4e: {  	[sflag:s16] =	ssyncset.done $0x0  }
0x4f: {  	[sflag:s16] =	ssyncadd.s32 $0xFFFFEC00  }
0x50: {  	[tilespmem:s19], [sflag:$0x4] =	stream.linear.gather [hbm4b:s11+s31], $0x1400, $0x38;
	[tilespmem:$0x1E0C0] =	vst v63  }
0x51: {  	_ =	swait.ge [sflag:s16], $0x1400  }
0x52: {  	[sflag:s16] =	ssyncset.done $0x0  }
0x53: {  	[sflag:s16] =	ssyncadd.s32 $0xFFFFEC00  }
0x54: {  	[tilespmem:s21], [sflag:$0x1] =	stream.indirect.gather [hbm4b:s4+s20], $0x80, s18, s20, $0xb8;
	[tilespmem:$0x1E0C0] =	vst v63  }
0x55: {  	_ =	swait.ge [sflag:s22], $0x4000  }
0x56: {  	[sflag:s22] =	ssyncset.done $0x0  }
0x57: {  	[sflag:s22] =	ssyncadd.s32 $0xFFFFC000  }
0x58: {  	[spmem:s2] =	stream.indirect.scatter.add.f32 [tilespmem:s21], [sflag:$0x2], $0x80, s19, s20, $0xb8;
	[tilespmem:$0x1E0C0] =	vst v63  }
0x59: {  	_ = 	snop  }
0x5a: {  	[tilespmem:s24], [sflag:$0x1] =	stream.indirect.gather [hbm4b:s4+s20], $0x80, s23, s20, $0xb8;
	[tilespmem:$0x1E0C0] =	vst v63  }
0x5b: {  	_ =	swait.ge [sflag:s22], $0x4000  }
0x5c: {  	[sflag:s22] =	ssyncset.done $0x0  }
0x5d: {  	[sflag:s22] =	ssyncadd.s32 $0xFFFFC000  }
0x5e: {  	[spmem:s2] =	stream.indirect.scatter.add.f32 [tilespmem:s24], [sflag:$0x3], $0x80, s25, s20, $0xb8;
	[tilespmem:$0x1E0C0] =	vst v63  }
0x5f: {  	_ =	swait.ge [sflag:s26], $0x4000  }
0x60: {  	[sflag:s26] =	ssyncset.done $0x0  }
0x61: {  	[sflag:s26] =	ssyncadd.s32 $0xFFFFC000  }
0x62: {  	[tilespmem:s21], [sflag:$0x1] =	stream.indirect.gather [hbm4b:s4+s20], $0x80, s28, s20, $0xb8;
	[tilespmem:$0x1E0C0] =	vst v63  }
.LBB2_4:
0x63: {  	_ =	swait.ge [sflag:s22], $0x4000  }
0x64: {  	s0 =	sshra.s32 s31, $0x2;
	[sflag:s22] =	ssyncset.done $0x0  }
0x65: {  	s1 =	sadd.s32 $0x14DC0, s0;
	[sflag:s22] =	ssyncadd.s32 $0xFFFFC000  }
0x66: {  	[spmem:s2] =	stream.indirect.scatter.add.f32 [tilespmem:s21], [sflag:$0x2], $0x80, s1, s20, $0xb8;
	[tilespmem:$0x1E0C0] =	vst v63  }
0x67: {  	_ =	swait.ge [sflag:s29], $0x4000  }
0x68: {  	[sflag:s29] =	ssyncset.done $0x0  }
0x69: {  	s3 =	sadd.s32 $0x13A40, s0;
	[sflag:s29] =	ssyncadd.s32 $0xFFFFC000  }
0x6a: {  	[tilespmem:s24], [sflag:$0x1] =	stream.indirect.gather [hbm4b:s4+s20], $0x80, s3, s20, $0xb8;
	[tilespmem:$0x1E0C0] =	vst v63  }
0x6b: {  	_ =	swait.ge [sflag:s22], $0x4000  }
0x6c: {  	[sflag:s22] =	ssyncset.done $0x0  }
0x6d: {  	p1 =	seq.s32 s31, $0x4800;
	s0 =	sadd.s32 $0x14E40, s0;
	[sflag:s22] =	ssyncadd.s32 $0xFFFFC000  }
0x6e: {  	[spmem:s2] =	stream.indirect.scatter.add.f32 [tilespmem:s24], [sflag:$0x3], $0x80, s0, s20, $0xb8;
	[tilespmem:$0x1E0C0] =	vst v63  }
0x6f: {  	s1 =	simm.s32 @!p1 $0x80;
	s3 =	simm.s32 @!p1 $0x160C0;
	_ =	swait.ge [sflag:s26], $0x4000  }
0x70: {  	s0 =	sshra.s32 @!p1 s31, $0x2;
	s31 =	sadd.s32 @!p1 $0x400, s31;
	[sflag:s26] =	ssyncset.done $0x0  }
0x71: {  	s0 =	sadd.s32 @!p1 $0x13AC0, s0;
	p2 =	sne.s32 @!p1 s31, $0x4C00;
	[sflag:s26] =	ssyncadd.s32 $0xFFFFC000  }
0x72: {  	[tilespmem:s3], [sflag:$0x1] =	stream.indirect.gather @!p1 [hbm4b:s4+s1], $0x80, s0, s1, $0xb8;
	[tilespmem:$0x1E0C0] =	vst v63  }
0x73: {  	p1 =	por p1, !p2  }
.Ltmp1:
0x74: {  	_ = 	snop;
	(pc) =	sbr.rel @!p1 .LBB2_4-.Ltmp1, $1  }
0x75: {  	_ =	sdelay $0x3  }
0x76: {  	_ =	swait.ge [sflag:s29], $0x4000  }
0x77: {  	[sflag:s29] =	ssyncset.done $0x0  }
0x78: {  	[sflag:s29] =	ssyncadd.s32 $0xFFFFC000  }
0x79: {  	[bflag:$0x0] =	sbarrier.arrive $0xFFFF  }
0x7a: {  	[hbm:s12], [sflag:s6] =	dma.local [spmem:s15], $0x2700  }
0x7b: {  	s30 =	sadd.s32 $0x1, s30;
	_ =	swait.ge [sflag:s16], $0x2700  }
0x7c: {  	p1 =	sne.s32 s30, s14;
	[sflag:s16] =	ssyncset.done $0x0  }
.Ltmp2:
0x7d: {  	s0 =	simm.s32 @!p0 $0x4;
	[sflag:s16] =	ssyncadd.s32 $0xFFFFD900;
	(pc) =	sbr.rel @p1 .LBB2_1-.Ltmp2, $4  }
0x7e: {  	[hbm:s13], [sflag:s6] =	dma.local @!p0 [spmem:s17], $0x100  }
0x7f: {  	_ =	swait.ge @!p0 [sflag:s0], $0x100  }
0x80: {  	[sflag:s0] =	ssyncset.done @!p0 $0x0  }
0x81: {  	[sflag:s0] =	ssyncadd.s32 @!p0 $0xFFFFFF00  }
0x82: {  	_ =	sfence.sel $0x180000  }
0x83: {  	[bflag:$0x0] =	sbarrier.arrive $0xFFFF  }
0x84: {  	_ =	strace $0x9000004D  }
0x85: {  	s0 =	stileid.u32;
	[bflag:$0x2] =	sbarrier.arrive $0xFFFF  }
0x86: {  	p0 =	sne.s32 s0, $0x0;
	s0 =	rddreg [dreg:$0x2]  }
0x87: {  	s0 =	sadd.s32 @!p0 $0x100000, s0  }
0x88: {  	[sflag:s0] =	ssyncadd.tile.s32 @!p0 $0x1;
	_ =	shalt  }
.Lfunc_end2:
_tile_overlayer_lowered:
.L_overlay_start_2:
0x89: {  	(tag) =	ssettag $0x2  }
0x8a: {  	s0 =	rddreg [dreg:$0x0];
	s2 =	stileid.u32  }
0x8b: {  	s1 =	rddreg [dreg:$0x1];
	p0 =	sne.s32 s2, $0x0  }
0x8c: {  	s3 =	rddreg [dreg:$0x2];
	[bflag:$0x3] =	sbarrier.arrive $0xFFFF;
	s2 =	simm.s32 @!p0 $0x1C04  }
0x8d: {  	[timem:s3], [sflag:s2] =	dma.local @!p0 [hbm:s0], s1  }
0x8e: {  	s0 =	simm.s32 @!p0 $0x4  }
0x8f: {  	_ =	swait.ge @!p0 [sflag:s0], s1  }
0x90: {  	s1 =	ssub.s32 @!p0 $0x0, s1;
	[sflag:s0] =	ssyncset.done @!p0 $0x0  }
0x91: {  	[sflag:s0] =	ssyncadd.s32 @!p0 s1  }
0x92: {  	[bflag:$0x3] =	sbarrier.arrive $0xFFFF  }
0x93: {  	_ =	shalt  }

// kernel: kernel.8.cloned.1.call-start
scs
__scs_entry_jumppad:
0x0: {  	(pc) =	sbr.rel $0x88, $3  }
0x1: {  	(tag) =	ssettag $0x0;
	lr =	simm.s32 $0x1  }
0x2: {  	[smem:$0x3F96] =	sst lr;
	_ =	strace $0xD0000000  }
0x3: {  	_ = 	snop  }
0x4: {  	_ = 	snop  }
0x5: {  	_ = 	snop  }
0x6: {  	_ = 	snop  }
0x7: {  	_ = 	snop  }
__scs_overlays_trampoline_lowered:
0x8: {  	[smem:$0x3FA5] =	sst s0  }
0x9: {  	[smem:$0x3FA6] =	sst s1  }
0xa: {  	[smem:$0x3FA7] =	sst s2  }
0xb: {  	[smem:$0x3FA8] =	sst s3  }
0xc: {  	[smem:$0x3FA9] =	sst s4  }
0xd: {  	[smem:$0x3FAA] =	sst s5  }
0xe: {  	[smem:$0x3FAB] =	sst s6  }
0xf: {  	[smem:$0x3FAC] =	sst s7  }
0x10: {  	[smem:$0x3FAD] =	sst s8  }
0x11: {  	[smem:$0x3FAE] =	sst s9;
	s0 =	simm.s32 @!p0 $0x0  }
0x12: {  	s1 =	sld [smem:$0x3F94];
	s0 =	simm.s32 @p0 $0x1  }
0x13: {  	[smem:$0x3FAF] =	sst s0;
	s0 =	simm.s32 @!p1 $0x0  }
0x14: {  	s2 =	sld [smem:$0x3F93];
	s0 =	simm.s32 @p1 $0x1  }
0x15: {  	[smem:$0x3FB0] =	sst s0;
	s0 =	simm.s32 @!p2 $0x0  }
0x16: {  	s3 =	sld [smem:$0x3FDB];
	s0 =	simm.s32 @p2 $0x1  }
0x17: {  	s4 =	simm.s32 $0x1BF5;
	[smem:$0x3FB2] =	sst s0  }
0x18: {  	s0 =	sld [smem:$0x3F95];
	_ =	swait.ge [sflag:s4], $0x0  }
0x19: {  	s7 =	sld [smem:$0x3F96]  }
0x1a: {  	s8 =	sadd.s32 $0xFFFFE003, lr  }
0x1b: {  	s9 =	sadd.s32 $0xFFFFFEF7, lr;
	s5 =	simm.s32 $0xFFFFFFFF;
	p2 =	slt.u32 s8, $0xFFFFF086  }
0x1c: {  	p1 =	slt.u32 s9, $0xF7A;
	s5 =	simm.s32 @!p2 $0x0  }
0x1d: {  	s5 =	simm.s32 @p1 $0x1;
	p0 =	seq.s32 s7, s2  }
0x1e: {  	s7 =	smul.u32 @!p0 $0xF7A, s2;
	p2 =	seq.s32 @!p0 s5, $0x0  }
0x1f: {  	s9 =	smul.u32 $0xF7A, s1;
	s8 =	simm.s32 @!p0 $0x1BF5;
	p2 =	por !p2, p0  }
0x20: {  	[sflag:s8] =	ssyncset.s32 @!p0 $0xFFFFF086;
	s6 =	sadd.s32 @!p0 s3, s7;
	s7 =	simm.s32 @!p0 $0x108  }
0x21: {  	s3 =	sadd.s32 s3, s9;
	s6 =	sadd.s32 @!p0 $0x88, s6;
	s7 =	simm.s32 @p2 $0x1082  }
0x22: {  	[simem:s7], [sflag:s8] =	dma.local @!p0 [hbm:s6], $0xF7A  }
0x23: {  	s9 =	sor.u32 $0xD0000000, s2;
	s6 =	simm.s32 $0x108;
	_ =	swait.ge @!p0 [sflag:s8], $0x0  }
0x24: {  	s3 =	sadd.s32 $0x88, s3;
	s6 =	simm.s32 @!p1 $0x1082;
	[sflag:s4] =	ssyncset.s32 $0xFFFFF086  }
0x25: {  	[simem:s6], [sflag:s4] =	dma.local [hbm:s3], $0xF7A  }
0x26: {  	[smem:$0x3F96] =	sst s1;
	(tag) =	ssettag s2;
	_ =	strace s9  }
0x27: {  	s1 =	sld [smem:$0x3FA6]  }
0x28: {  	s2 =	sld [smem:$0x3FA7]  }
0x29: {  	s4 =	sld [smem:$0x3FA9]  }
0x2a: {  	p0 =	seq.s32 s5, $0x0;
	s5 =	sld [smem:$0x3FAA]  }
0x2b: {  	s6 =	sld [smem:$0x3FAB]  }
0x2c: {  	s7 =	sld [smem:$0x3FAC]  }
0x2d: {  	s3 =	simm.s32 $0x108;
	s8 =	sld [smem:$0x3FAD]  }
0x2e: {  	s3 =	simm.s32 @!p0 $0x1082;
	s9 =	sld [smem:$0x3FAE]  }
0x2f: {  	lr =	sadd.s32 s0, s3;
	s0 =	sld [smem:$0x3FA5]  }
0x30: {  	s3 =	sld [smem:$0x3FA8]  }
0x31: {  	[smem:$0x3FB1] =	sst s10  }
0x32: {  	s10 =	sld [smem:$0x3FAF];
	_ =	sdelay $0x3  }
0x33: {  	p0 =	seq.s32 s10, $0x1;
	s10 =	sld [smem:$0x3FB1];
	_ =	sdelay $0x3  }
0x34: {  	[smem:$0x3FB1] =	sst s10  }
0x35: {  	s10 =	sld [smem:$0x3FB0];
	_ =	sdelay $0x3  }
0x36: {  	p1 =	seq.s32 s10, $0x1;
	s10 =	sld [smem:$0x3FB1];
	_ =	sdelay $0x3  }
0x37: {  	[smem:$0x3FB1] =	sst s10  }
0x38: {  	s10 =	sld [smem:$0x3FB2]  }
0x39: {  	_ = 	snop;
	(pc) =	sbr.ind lr, $3  }
0x3a: {  	_ = 	snop  }
0x3b: {  	_ = 	snop  }
0x3c: {  	p2 =	seq.s32 s10, $0x1;
	s10 =	sld [smem:$0x3FB1]  }
0x3d: {  	_ =	shalt  }
0x3e: {  	_ =	shalt  }
0x3f: {  	_ =	shalt  }
0x40: {  	_ =	shalt  }
0x41: {  	_ =	shalt  }
0x42: {  	_ =	shalt  }
0x43: {  	_ =	shalt  }
0x44: {  	_ =	shalt  }
0x45: {  	_ =	shalt  }
0x46: {  	_ =	shalt  }
0x47: {  	_ =	shalt  }
0x48: {  	_ =	shalt  }
0x49: {  	_ =	shalt  }
0x4a: {  	_ =	shalt  }
0x4b: {  	_ =	shalt  }
0x4c: {  	_ =	shalt  }
0x4d: {  	_ =	shalt  }
0x4e: {  	_ =	shalt  }
0x4f: {  	_ =	shalt  }
0x50: {  	_ =	shalt  }
0x51: {  	_ =	shalt  }
0x52: {  	_ =	shalt  }
0x53: {  	_ =	shalt  }
0x54: {  	_ =	shalt  }
0x55: {  	_ =	shalt  }
0x56: {  	_ =	shalt  }
0x57: {  	_ =	shalt  }
0x58: {  	_ =	shalt  }
0x59: {  	_ =	shalt  }
0x5a: {  	_ =	shalt  }
0x5b: {  	_ =	shalt  }
0x5c: {  	_ =	shalt  }
0x5d: {  	_ =	shalt  }
0x5e: {  	_ =	shalt  }
0x5f: {  	_ =	shalt  }
0x60: {  	_ =	shalt  }
0x61: {  	_ =	shalt  }
0x62: {  	_ =	shalt  }
0x63: {  	_ =	shalt  }
0x64: {  	_ =	shalt  }
0x65: {  	_ =	shalt  }
0x66: {  	_ =	shalt  }
0x67: {  	_ =	shalt  }
0x68: {  	_ =	shalt  }
0x69: {  	_ =	shalt  }
0x6a: {  	_ =	shalt  }
0x6b: {  	_ =	shalt  }
0x6c: {  	_ =	shalt  }
0x6d: {  	_ =	shalt  }
0x6e: {  	_ =	shalt  }
0x6f: {  	_ =	shalt  }
0x70: {  	_ =	shalt  }
0x71: {  	_ =	shalt  }
0x72: {  	_ =	shalt  }
0x73: {  	_ =	shalt  }
0x74: {  	_ =	shalt  }
0x75: {  	_ =	shalt  }
0x76: {  	_ =	shalt  }
0x77: {  	_ =	shalt  }
0x78: {  	_ =	shalt  }
0x79: {  	_ =	shalt  }
0x7a: {  	_ =	shalt  }
0x7b: {  	_ =	shalt  }
0x7c: {  	_ =	shalt  }
0x7d: {  	_ =	shalt  }
0x7e: {  	_ =	shalt  }
0x7f: {  	_ =	shalt  }
0x80: {  	_ =	shalt  }
0x81: {  	_ =	shalt  }
0x82: {  	_ =	shalt  }
0x83: {  	_ =	shalt  }
0x84: {  	_ =	shalt  }
0x85: {  	_ =	shalt  }
0x86: {  	_ =	shalt  }
0x87: {  	_ =	shalt  }
.Lfunc_end0:
.L_simem_size_0:
called_computation_lowered:
.L_overlay_start_0:
0x88: {  	s2 =	sld [smem:$0x3FD9]  }
0x89: {  	s3 =	sld [smem:$0x3FFE];
	_ =	sdelay $0x1  }
0x8a: {  	s1 =	srdreg.scid  }
0x8b: {  	s0 =	sand.u32 $0x1, s1  }
0x8c: {  	s16 =	sshll.u32 s0, $0xA;
	s2 =	sadd.s32 s3, s2  }
0x8d: {  	s2 =	sadd.s32 s2, s16  }
0x8e: {  	[smem:$0x3FBD] =	sst s2  }
0x8f: {  	_ = 	snop  }
0x90: {  	(tm) =	ssettm $0x1  }
0x91: {  	s17 =	sld [smem:$0x3FFB];
	_ =	sdelay $0x3  }
0x92: {  	_ =	strace s17  }
0x93: {  	s2 =	sld [smem:$0x3FFC];
	_ =	sdelay $0x3  }
0x94: {  	_ =	strace s2  }
0x95: {  	s2 =	sld [smem:$0x3FFD];
	_ =	sdelay $0x3  }
0x96: {  	_ =	strace s2  }
0x97: {  	_ =	strace $0x8FFFFFFF  }
0x98: {  	s18 =	sld [smem:$0x3FDB];
	_ =	sdelay $0x1  }
0x99: {  	s19 =	simm.s32 $_scs_section_size  }
0x9a: {  	s4 =	simm.s32 $_size__tile_overlayer_lowered;
	s5 =	simm.s32 $_tile_overlayer_lowered  }
0x9b: {  	s22 =	simm.s32 $0x1BFF;
	s21 =	sshll.u32 s5, $0x1;
	s2 =	sadd.s32 s19, s18  }
0x9c: {  	s6 =	simm.s32 $0x0;
	s20 =	sshll.u32 s4, $0x1;
	s4 =	sadd.s32 s21, s2  }
0x9d: {  	[timem:s6], [sflag:s22] =	dma.local [hbm:s4], s20  }
0x9e: {  	_ =	swait.ge [sflag:s22], s20  }
0x9f: {  	s3 =	ssub.s32 $0x0, s20;
	[sflag:s22] =	ssyncset.done $0x0  }
0xa0: {  	[sflag:s22] =	ssyncadd.s32 s3;
	_ =	sdelay $0x1  }
0xa1: {  	s23 =	simm.s32 $0x1B8B  }
0xa2: {  	_ =	swait.ge [sflag:s23], $0x1  }
0xa3: {  	[sflag:s23] =	ssyncset.done $0x0  }
0xa4: {  	s25 =	simm.s32 $0x1B8E;
	s24 =	sld [smem:$0x3FFE];
	[sflag:s23] =	ssyncadd.s32 $0xFFFFFFFF  }
0xa5: {  	s26 =	simm.s32 $execute0_lowered;
	[smem:$0x3FD2] =	sst s25  }
0xa6: {  	s4 =	sshll.u32 s26, $0x1;
	_ =	strace $0x80000046;
	[dreg:$0x1] =	wrdreg $0xFFFFFFFF  }
0xa7: {  	s28 =	simm.s32 $_size_execute0_lowered;
	s2 =	sadd.s32 s2, s4;
	[dreg:$0x0] =	wrdreg $0x0  }
0xa8: {  	s4 =	sshll.u32 s28, $0x1;
	[dreg:$0x2] =	wrdreg s2  }
0xa9: {  	[dreg:$0x3] =	wrdreg s4  }
0xaa: {  	[dreg:$0x4] =	wrdreg $0xC0  }
0xab: {  	_ =	task [dreg:s6], $0x5FFFF  }
0xac: {  	[dreg:$0x1] =	wrdreg $0xFFFFFFFF  }
0xad: {  	[dreg:$0x0] =	wrdreg $0x60  }
0xae: {  	[dreg:$0x2] =	wrdreg s24  }
0xaf: {  	[dreg:$0x3] =	wrdreg $0x9  }
0xb0: {  	_ =	task.clear_ibuf [dreg:s6], $0x4FFFF;
	_ =	strace $0x90000046  }
0xb1: {  	s29 =	simm.s32 $0x9;
	_ =	strace $0x80000048  }
0xb2: {  	_ =	swait.ge [sflag:s29], $0x1  }
0xb3: {  	[sflag:s29] =	ssyncadd.s32 $0xFFFFFFFF  }
0xb4: {  	_ =	strace $0x90000048  }
0xb5: {  	_ =	sfence  }
0xb6: {  	s30 =	sld [smem:$0x0];
	_ =	sdelay $0x2  }
0xb7: {  	s31 =	sshll.u32 s1, $0xD;
	s1 =	sshrl.u32 s1, $0x2  }
0xb8: {  	s3 =	sand.u32 $0x4000, s31;
	s1 =	sadd.s32 s1, s30  }
0xb9: {  	s0 =	sor.u32 s3, s0;
	s1 =	sshll.u32 s1, $0x11  }
0xba: {  	s0 =	sor.u32 s1, s0  }
0xbb: {  	s0 =	sadd.s32 $0x8F2B, s0  }
0xbc: {  	[sflag:s0] =	ssyncadd.remote.s32 $0x1  }
0xbd: {  	_ =	sfence.sel $0xFFFF  }
0xbe: {  	[dreg:$0x0] =	wrdreg $0xFFFFFFFF;
	(pc) =	sbr.abs _section_cstart, $3  }
0xbf: {  	[dreg:$0x1] =	wrdreg $0xFFFFFFFF  }
0xc0: {  	_ =	task.clear_ibuf [dreg:s6], $0x2FFFF;
	_ =	strace $0x9FFFFFFF  }
0xc1: {  	(tm) =	ssettm $0x7FFFFFFF  }
tec
execute0_lowered:
.L_overlay_start_1:
0x0: {  	(tag) =	ssettag $0x1  }
0x1: {  	s1 =	srdreg.scid  }
0x2: {  	s0 =	stileid.u32;
	s4 =	rddreg [dreg:$0x0];
	s8 =	simm.s32 $0x1  }
0x3: {  	s9 =	simm.s32 $0x80;
	s10 =	simm.s32 $0x400;
	s11 =	simm.s32 $0x0  }
0x4: {  	s3 =	sand.u32 $0x1, s1;
	s2 =	sshll.u32 s0, $0x1;
	s1 =	rddreg [dreg:$0x1]  }
0x5: {  	s6 =	sshrl.u32 s0, $0x2;
	s5 =	sor.u32 s3, s2;
	s2 =	simm.s32 $0x0  }
0x6: {  	s6 =	smul.u32 $0x13C00, s6;
	s30 =	ssub.s32 $0x2, s3;
	s7 =	sshll.u32 s5, $0x7  }
0x7: {  	s3 =	sadd.s32 $0xCA00, s4;
	s5 =	smul.u32 $0x4E2, s5;
	s7 =	sand.u32 $0x380, s7  }
0x8: {  	[smem:$0x7FF] =	sst s2;
	s31 =	sshrl.u32 s30, $0x1;
	s6 =	sor.u32 s6, s7  }
0x9: {  	_ =	strace $0x80000047;
	s5 =	sadd.s32 s5, s4;
	s6 =	sshrl.u32 s6, $0x3  }
0xa: {  	s7 =	ssub.s32 s30, s31;
	s6 =	sadd.s32 s6, s4;
	s4 =	sadd.s32 $0x2C00, s5  }
0xb: {  	v0 =	vimm.f32 $1.000000000e+00;
	s5 =	sadd.s32 $0xD000, s6;
	s6 =	smax.u32 s7, $0x1;
	s7 =	simm.s32 $0x2780  }
.LBB2_1:
0xc: {  	[tilespmem:s7], [sflag:$0x1] =	stream.linear.gather [hbm4b:s3+s2], $0x2780, $0x38;
	[tilespmem:$0x4F00] =	vst v63  }
0xd: {  	_ =	swait.ge [sflag:s8], $0x2780  }
0xe: {  	[sflag:s8] =	ssyncset.done $0x0  }
0xf: {  	[sflag:s8] =	ssyncadd.s32 $0xFFFFD880  }
0x10: {  	[tilespmem:s2], [sflag:$0x1] =	stream.linear.gather [hbm4b:s4+s2], $0x2710, $0x38;
	[tilespmem:$0x4F00] =	vst v63  }
0x11: {  	_ =	swait.ge [sflag:s8], $0x2710  }
0x12: {  	[sflag:s8] =	ssyncset.done $0x0  }
0x13: {  	s13 =	simm.s32 $0x0;
	s12 =	simm.s32 $0x40;
	[sflag:s8] =	ssyncadd.s32 $0xFFFFD8F0  }
.LBB2_2:
0x14: {  	p0 =	sne.s32 s12, $0x9C00;
	v1 =	vld [tilespmem:s13+$0x0];
	_ =	sdelay $0x3  }
.Ltmp0:
0x15: {  	(pc) =	sbr.rel @p0 .LBB2_2-.Ltmp0, $2  }
0x16: {  	_ =	sdelay $0x2  }
0x17: {  	s13 =	sshra.s32 s12, $0x2;
	s12 =	sadd.s32 $0x40, s12;
	[tilespmem:v1+s7+$0x0] =	vst.idx.add.f32.msk $0xffff, v0  }
0x18: {  	v1 =	vld [tilespmem:s13+$0x0];
	_ =	sdelay $0x5  }
0x19: {  	s11 =	sadd.s32 $0x1, s11  }
0x1a: {  	p0 =	sne.s32 s11, s6  }
.Ltmp1:
0x1b: {  	[tilespmem:v1+s7+$0x0] =	vst.idx.add.f32.msk $0xffff, v0;
	(pc) =	sbr.rel @p0 .LBB2_1-.Ltmp1, $4  }
0x1c: {  	[hbm4b:s5+s9] =	stream.strided.scatter [tilespmem:s7], [sflag:$0x1], $0x2780, s10, s9, $0x38;
	[tilespmem:$0x4F00] =	vst v63  }
0x1d: {  	_ =	swait.ge [sflag:s8], $0x2780  }
0x1e: {  	[sflag:s8] =	ssyncset.done $0x0  }
0x1f: {  	[sflag:s8] =	ssyncadd.s32 $0xFFFFD880  }
0x20: {  	_ =	sfence.sel $0x180000  }
0x21: {  	[bflag:$0x0] =	sbarrier.arrive $0xFFFF  }
0x22: {  	p0 =	sne.s32 s0, $0x0;
	_ =	strace $0x90000047  }
0x23: {  	s0 =	sadd.s32 @!p0 $0x100000, s1;
	[bflag:$0x2] =	sbarrier.arrive $0xFFFF  }
0x24: {  	[sflag:s0] =	ssyncadd.tile.s32 @!p0 $0x1;
	_ =	shalt  }
.Lfunc_end2:
_tile_overlayer_lowered:
.L_overlay_start_2:
0x25: {  	(tag) =	ssettag $0x2  }
0x26: {  	s0 =	rddreg [dreg:$0x0];
	s2 =	stileid.u32  }
0x27: {  	s1 =	rddreg [dreg:$0x1];
	p0 =	sne.s32 s2, $0x0  }
0x28: {  	s3 =	rddreg [dreg:$0x2];
	[bflag:$0x3] =	sbarrier.arrive $0xFFFF;
	s2 =	simm.s32 @!p0 $0x1C01  }
0x29: {  	[timem:s3], [sflag:s2] =	dma.local @!p0 [hbm:s0], s1  }
0x2a: {  	s0 =	simm.s32 @!p0 $0x1  }
0x2b: {  	_ =	swait.ge @!p0 [sflag:s0], s1  }
0x2c: {  	s1 =	ssub.s32 @!p0 $0x0, s1;
	[sflag:s0] =	ssyncset.done @!p0 $0x0  }
0x2d: {  	[sflag:s0] =	ssyncadd.s32 @!p0 s1  }
0x2e: {  	[bflag:$0x3] =	sbarrier.arrive $0xFFFF  }
0x2f: {  	_ =	shalt  }

</sc_bundles>
